<compile_context>
chip_gen: v7x
topology: tpu7x:2x2x1
jax: 0.10.2.dev20260603
libtpu: 0.0.44.dev20260713+nightly
codegen_flags: <defaults>
</compile_context>

<pallas_src>
import jax
import jax.numpy as jnp
from jax import lax
from jax.experimental import pallas as pl
from jax.experimental.pallas import tpu as pltpu
from jax.experimental.pallas import tpu_sc as plsc

NUM_ACTIONS = 1000
PAD_ACTIONS = 1024
EMBED = 128
FEAT = 512
PACKED = FEAT // 2
GROUPS = FEAT // 32
BATCH = 16384

MLP_BM = 512

NC, NS = 2, 16
NW = NC * NS
BPW = BATCH // NW
CHUNK = 64
NCHUNK = BPW // CHUNK


def _mlp_body(t_ref, w1_ref, b1_ref, w2_ref, b2_ref, f_ref):
    e = t_ref[...].astype(jnp.bfloat16)
    h = jnp.dot(e, w1_ref[...].astype(jnp.bfloat16),
                preferred_element_type=jnp.float32)
    h = h + b1_ref[...]
    h = h * jax.nn.sigmoid(h)
    o = jnp.dot(h.astype(jnp.bfloat16), w2_ref[...].astype(jnp.bfloat16),
                preferred_element_type=jnp.float32)
    o = o + b2_ref[...]
    a = lax.bitcast_convert_type(
        o[:, :PACKED].astype(jnp.bfloat16), jnp.int16).astype(jnp.int32)
    b = lax.bitcast_convert_type(
        o[:, PACKED:].astype(jnp.bfloat16), jnp.int16).astype(jnp.int32)
    f_ref[...] = (a & jnp.int32(65535)) | (b << 16)


def _widen_chunk(src, dst):
    @plsc.parallel_loop(0, CHUNK, 1, unroll=2)
    def row_body(r):
        for g in range(PACKED // 16):
            v = src[r, pl.ds(g * 16, 16)]
            x = lax.bitcast_convert_type(v << 16, jnp.float32)
            y = lax.bitcast_convert_type(v & jnp.int32(-65536), jnp.float32)
            dst[r, pl.ds(g * 16, 16)] = x
            dst[r, pl.ds(PACKED + g * 16, 16)] = y


def _expand_body(feat_hbm, idx_hbm, out_hbm, idx_v, bg0, bg1, bf0, bf1,
                 gsem0, gsem1, ssem0, ssem1):
    wid = lax.axis_index("s") * NC + lax.axis_index("c")
    base = wid * BPW
    pltpu.sync_copy(idx_hbm.at[pl.ds(base, BPW)], idx_v)
    bgs = (bg0, bg1)
    bfs = (bf0, bf1)
    gsems = (gsem0, gsem1)
    ssems = (ssem0, ssem1)

    def gather(c, b):
        pltpu.async_copy(
            feat_hbm.at[idx_v.at[pl.ds(c * CHUNK, CHUNK)]], bgs[b], gsems[b])

    def gather_wait(c, b):
        pltpu.make_async_copy(
            feat_hbm.at[idx_v.at[pl.ds(c * CHUNK, CHUNK)]], bgs[b],
            gsems[b]).wait()

    def scatter(c, b):
        pltpu.async_copy(
            bfs[b], out_hbm.at[pl.ds(base + c * CHUNK, CHUNK)], ssems[b])

    def scatter_wait(c, b):
        pltpu.make_async_copy(
            bfs[b], out_hbm.at[pl.ds(base + c * CHUNK, CHUNK)],
            ssems[b]).wait()

    gather(0, 0)
    gather(1, 1)

    def pair_body(k, carry):
        for b in range(2):
            c = 2 * k + b
            gather_wait(c, b)

            @pl.when(k > 0)
            def _():
                scatter_wait(c - 2, b)
            _widen_chunk(bgs[b], bfs[b])
            scatter(c, b)

            @pl.when(k < NCHUNK // 2 - 1)
            def _():
                gather(c + 2, b)
        return carry

    lax.fori_loop(0, NCHUNK // 2, pair_body, 0)
    for b in range(2):
        scatter_wait(NCHUNK - 2 + b, b)


_expand = pl.kernel(
    _expand_body,
    out_type=jax.ShapeDtypeStruct((BATCH, FEAT), jnp.float32),
    mesh=plsc.VectorSubcoreMesh(core_axis_name="c", subcore_axis_name="s"),
    scratch_types=[
        pltpu.VMEM((BPW,), jnp.int32),
        pltpu.VMEM((CHUNK, PACKED), jnp.int32),
        pltpu.VMEM((CHUNK, PACKED), jnp.int32),
        pltpu.VMEM((CHUNK, FEAT), jnp.float32),
        pltpu.VMEM((CHUNK, FEAT), jnp.float32),
        pltpu.SemaphoreType.DMA,
        pltpu.SemaphoreType.DMA,
        pltpu.SemaphoreType.DMA,
        pltpu.SemaphoreType.DMA,
    ],
)


def kernel(action_indices, emb_table, W1, b1, W2, b2):
    feat = pl.pallas_call(
        _mlp_body,
        grid=(PAD_ACTIONS // MLP_BM,),
        in_specs=[
            pl.BlockSpec((MLP_BM, EMBED), lambda i: (i, 0)),
            pl.BlockSpec((EMBED, FEAT), lambda i: (0, 0)),
            pl.BlockSpec((1, FEAT), lambda i: (0, 0)),
            pl.BlockSpec((FEAT, FEAT), lambda i: (0, 0)),
            pl.BlockSpec((1, FEAT), lambda i: (0, 0)),
        ],
        out_specs=pl.BlockSpec((MLP_BM, PACKED), lambda i: (i, 0)),
        out_shape=jax.ShapeDtypeStruct((PAD_ACTIONS, PACKED), jnp.int32),
    )(emb_table, W1, b1.reshape(1, FEAT), W2, b2.reshape(1, FEAT))
    return _expand(feat, action_indices.astype(jnp.int32))

# --- scband reference (transcript-rebuilt; emitter-appended) ---
"""Pipeline reference for scband-discrete-action-encoder-2156073582953 (READ-ONLY COPY).

The authoritative reference and input builder live on the scoring server;
editing this copy changes nothing except your own understanding.
"""

import jax, jax.numpy as jnp
import numpy as np

NUM_ACTIONS = 1000
EMBED_DIM = 128
FEATURE_DIM = 512
BATCH = 16384

def setup_inputs(seed: int = 0) -> dict:
    key = jax.random.key(seed)
    k_idx, k_emb, k_w1, k_b1, k_w2, k_b2 = jax.random.split(key, 6)
    action_indices = jax.random.randint(k_idx, (BATCH,), 0, NUM_ACTIONS, dtype=jnp.int64 if jax.config.jax_enable_x64 else jnp.int32)
    emb_table = jax.random.normal(k_emb, (NUM_ACTIONS, EMBED_DIM), dtype=jnp.float32)
    # PyTorch nn.Linear default init: U(-1/sqrt(fan_in), 1/sqrt(fan_in))
    lim1 = 1.0 / np.sqrt(EMBED_DIM)
    W1 = jax.random.uniform(k_w1, (EMBED_DIM, FEATURE_DIM), minval=-lim1, maxval=lim1, dtype=jnp.float32)
    b1 = jax.random.uniform(k_b1, (FEATURE_DIM,), minval=-lim1, maxval=lim1, dtype=jnp.float32)
    lim2 = 1.0 / np.sqrt(FEATURE_DIM)
    W2 = jax.random.uniform(k_w2, (FEATURE_DIM, FEATURE_DIM), minval=-lim2, maxval=lim2, dtype=jnp.float32)
    b2 = jax.random.uniform(k_b2, (FEATURE_DIM,), minval=-lim2, maxval=lim2, dtype=jnp.float32)
    return {"action_indices": action_indices, "emb_table": emb_table, "W1": W1, "b1": b1, "W2": W2, "b2": b2}

def silu(x):
    return x * jax.nn.sigmoid(x)

def reference(action_indices, emb_table, W1, b1, W2, b2):
    embedded = jnp.take(emb_table, action_indices, axis=0)  # [B, embed_dim]
    h = embedded @ W1 + b1
    h = silu(h)
    features = h @ W2 + b2  # [B, feature_dim]
    return features

if __name__ == "__main__":
    import jax
    _d = setup_inputs()
    print(jax.jit(kernel)(*tuple(_d.values())))

</pallas_src>

<mosaic_0001>
#map = affine_map<(d0, d1) -> (0, 0)>
#map1 = affine_map<(d0, d1) -> (0)>
module attributes {stable_mosaic.version = 14 : i64} {
  func.func @_expand_body(%arg0: i32, %arg1: i32, %arg2: memref<1024x256xi32, #tpu.memory_space<hbm>>, %arg3: memref<16384xi32, #tpu.memory_space<hbm>>, %arg4: memref<16384x512xf32, #tpu.memory_space<hbm>>, %arg5: memref<512xi32, #tpu.memory_space<vmem>>, %arg6: memref<64x256xi32, #tpu.memory_space<vmem>>, %arg7: memref<64x256xi32, #tpu.memory_space<vmem>>, %arg8: memref<64x512xf32, #tpu.memory_space<vmem>>, %arg9: memref<64x512xf32, #tpu.memory_space<vmem>>, %arg10: memref<!tpu.dma_semaphore, #tpu.memory_space<semaphore_mem>>, %arg11: memref<!tpu.dma_semaphore, #tpu.memory_space<semaphore_mem>>, %arg12: memref<!tpu.dma_semaphore, #tpu.memory_space<semaphore_mem>>, %arg13: memref<!tpu.dma_semaphore, #tpu.memory_space<semaphore_mem>>) attributes {dimension_semantics = [#tpu.dimension_semantics<core_parallel>, #tpu.dimension_semantics<subcore_parallel>], iteration_bounds = array<i64: 2, 16>, scalar_prefetch = 0 : i64, scratch_operands = 9 : i64, tpu.core_type = #tpu.core_type<sc_vector_subcore>, window_params = [{transform_indices = #map}, {transform_indices = #map1}, {transform_indices = #map}]} {
    %mul3A = arith.constant 2 : i32
    %mul3A_0 = arith.muli %arg1, %mul3A : i32
    %add3A = arith.addi %mul3A_0, %arg0 : i32
    %mul3A_1 = arith.constant 512 : i32
    %mul3A_2 = arith.muli %add3A, %mul3A_1 : i32
    "tpu.region"() ({
      %run_scoped3A = tpu.sem_alloc : memref<!tpu.dma_semaphore, #tpu.memory_space<semaphore_mem>>
      %dma_start3A_28 = tpu.memref_slice %arg3[%mul3A_2] : memref<16384xi32, #tpu.memory_space<hbm>> -> memref<512xi32, #tpu.memory_space<hbm>>
      %dma_start3A_29 = tpu.memref_slice %arg3[%mul3A_2] : memref<16384xi32, #tpu.memory_space<hbm>> -> memref<512xi32, #tpu.memory_space<hbm>>
      tpu.enqueue_dma source(%dma_start3A_29 : memref<512xi32, #tpu.memory_space<hbm>>) target(%arg5 : memref<512xi32, #tpu.memory_space<vmem>>) target_semaphore(%run_scoped3A : memref<!tpu.dma_semaphore, #tpu.memory_space<semaphore_mem>>)
      %dma_wait3A_30 = tpu.memref_slice %arg3[%mul3A_2] : memref<16384xi32, #tpu.memory_space<hbm>> -> memref<512xi32, #tpu.memory_space<hbm>>
      %dma_wait3A_31 = tpu.memref_slice %arg3[%mul3A_2] : memref<16384xi32, #tpu.memory_space<hbm>> -> memref<512xi32, #tpu.memory_space<hbm>>
      tpu.wait_dma2 semaphore(%run_scoped3A : memref<!tpu.dma_semaphore, #tpu.memory_space<semaphore_mem>>) src(%dma_wait3A_31 : memref<512xi32, #tpu.memory_space<hbm>>) dst(%arg5 : memref<512xi32, #tpu.memory_space<vmem>>)
      tpu.yield
    }) : () -> ()
    %dma_start3A = arith.constant 0 : i32
    %dma_start3A_3 = tpu.memref_slice %arg5[%dma_start3A] : memref<512xi32, #tpu.memory_space<vmem>> -> memref<64xi32, #tpu.memory_space<vmem>>
    %dma_start3A_4 = arith.constant 0 : i32
    %dma_start3A_5 = arith.constant 0 : i32
    %dma_start3A_6 = tpu.memref_slice %arg2[%dma_start3A_4, %dma_start3A_5] : memref<1024x256xi32, #tpu.memory_space<hbm>> -> memref<1024x256xi32, #tpu.memory_space<hbm>>
    tpu.enqueue_indirect_dma source(%dma_start3A_6 : memref<1024x256xi32, #tpu.memory_space<hbm>>) target(%arg6 : memref<64x256xi32, #tpu.memory_space<vmem>>) offsets(%dma_start3A_3 : memref<64xi32, #tpu.memory_space<vmem>>) semaphore(%arg10 : memref<!tpu.dma_semaphore, #tpu.memory_space<semaphore_mem>>)
    %dma_start3A_7 = arith.constant 64 : i32
    %dma_start3A_8 = tpu.memref_slice %arg5[%dma_start3A_7] : memref<512xi32, #tpu.memory_space<vmem>> -> memref<64xi32, #tpu.memory_space<vmem>>
    %dma_start3A_9 = arith.constant 0 : i32
    %dma_start3A_10 = arith.constant 0 : i32
    %dma_start3A_11 = tpu.memref_slice %arg2[%dma_start3A_9, %dma_start3A_10] : memref<1024x256xi32, #tpu.memory_space<hbm>> -> memref<1024x256xi32, #tpu.memory_space<hbm>>
    tpu.enqueue_indirect_dma source(%dma_start3A_11 : memref<1024x256xi32, #tpu.memory_space<hbm>>) target(%arg7 : memref<64x256xi32, #tpu.memory_space<vmem>>) offsets(%dma_start3A_8 : memref<64xi32, #tpu.memory_space<vmem>>) semaphore(%arg11 : memref<!tpu.dma_semaphore, #tpu.memory_space<semaphore_mem>>)
    %scan3A = arith.constant 0 : i32
    %scan3A_12 = arith.constant 0 : i32
    %scan3A_13 = arith.constant 4 : i32
    %scan3A_14 = arith.addi %scan3A_12, %scan3A_13 : i32
    %scan3A_15 = arith.constant 1 : i32
    scf.for %scan3A_28 = %scan3A_12 to %scan3A_14 step %scan3A_15  : i32 {
      %mul3A_29 = arith.constant 2 : i32
      %mul3A_30 = arith.muli %mul3A_29, %scan3A_28 : i32
      %add3A_31 = arith.constant 0 : i32
      %add3A_32 = arith.addi %mul3A_30, %add3A_31 : i32
      %mul3A_33 = arith.constant 64 : i32
      %mul3A_34 = arith.muli %add3A_32, %mul3A_33 : i32
      %dma_wait3A_35 = tpu.memref_slice %arg5[%mul3A_34] : memref<512xi32, #tpu.memory_space<vmem>> -> memref<64xi32, #tpu.memory_space<vmem>>
      %dma_wait3A_36 = arith.constant 0 : i32
      %dma_wait3A_37 = arith.constant 0 : i32
      %dma_wait3A_38 = tpu.memref_slice %arg2[%dma_wait3A_36, %dma_wait3A_37] : memref<1024x256xi32, #tpu.memory_space<hbm>> -> memref<1024x256xi32, #tpu.memory_space<hbm>>
      tpu.wait_indirect_dma semaphore(%arg10 : memref<!tpu.dma_semaphore, #tpu.memory_space<semaphore_mem>>) src(%dma_wait3A_38 : memref<1024x256xi32, #tpu.memory_space<hbm>>) dst(%arg6 : memref<64x256xi32, #tpu.memory_space<vmem>>)
      %gt3A = arith.constant 0 : i32
      %gt3A_39 = arith.cmpi sgt, %scan3A_28, %gt3A : i32
      %convert_element_type3A = arith.extui %gt3A_39 : i1 to i32
      %cond3A = arith.constant 0 : i32
      %cond3A_40 = arith.cmpi ne, %convert_element_type3A, %cond3A : i32
      scf.if %cond3A_40 {
        %sub3A = arith.constant 2 : i32
        %sub3A_84 = arith.subi %add3A_32, %sub3A : i32
        %mul3A_85 = arith.constant 64 : i32
        %mul3A_86 = arith.muli %sub3A_84, %mul3A_85 : i32
        %add3A_87 = arith.addi %mul3A_2, %mul3A_86 : i32
        %dma_wait3A_88 = arith.constant 0 : i32
        %dma_wait3A_89 = tpu.memref_slice %arg4[%add3A_87, %dma_wait3A_88] : memref<16384x512xf32, #tpu.memory_space<hbm>> -> memref<64x512xf32, #tpu.memory_space<hbm>>
        %dma_wait3A_90 = arith.constant 0 : i32
        %dma_wait3A_91 = tpu.memref_slice %arg4[%add3A_87, %dma_wait3A_90] : memref<16384x512xf32, #tpu.memory_space<hbm>> -> memref<64x512xf32, #tpu.memory_space<hbm>>
        tpu.wait_dma2 semaphore(%arg12 : memref<!tpu.dma_semaphore, #tpu.memory_space<semaphore_mem>>) src(%arg8 : memref<64x512xf32, #tpu.memory_space<vmem>>) dst(%dma_wait3A_91 : memref<64x512xf32, #tpu.memory_space<hbm>>)
      } else {
      }
      %parallel_loop3A = arith.constant 0 : i32
      %parallel_loop3A_41 = arith.constant 64 : i32
      %parallel_loop3A_42 = arith.constant 1 : i32
      scf.for %parallel_loop3A_84 = %parallel_loop3A to %parallel_loop3A_41 step %parallel_loop3A_42  : i32 {
        %parallel_loop3A_85 = arith.index_cast %parallel_loop3A_84 : i32 to index
        %parallel_loop3A_86 = arith.constant 0 : index
        %parallel_loop3A_87 = tpu.vector_load %arg6[%parallel_loop3A_85, %parallel_loop3A_86] {strides = array<i32>} : memref<64x256xi32, #tpu.memory_space<vmem>>, vector<1x16xi32>,
        %parallel_loop3A_88 = vector.shape_cast %parallel_loop3A_87 : vector<1x16xi32> to vector<16xi32>
        %parallel_loop3A_89 = arith.constant 16 : i32
        %parallel_loop3A_90 = vector.broadcast %parallel_loop3A_89 : i32 to vector<16xi32>
        %parallel_loop3A_91 = arith.shli %parallel_loop3A_88, %parallel_loop3A_90 : vector<16xi32>
        %parallel_loop3A_92 = tpu.bitcast %parallel_loop3A_91 : vector<16xi32> -> vector<16xf32>
        %parallel_loop3A_93 = arith.constant -65536 : i32
        %parallel_loop3A_94 = vector.broadcast %parallel_loop3A_93 : i32 to vector<16xi32>
        %parallel_loop3A_95 = arith.andi %parallel_loop3A_88, %parallel_loop3A_94 : vector<16xi32>
        %parallel_loop3A_96 = tpu.bitcast %parallel_loop3A_95 : vector<16xi32> -> vector<16xf32>
        %parallel_loop3A_97 = arith.index_cast %parallel_loop3A_84 : i32 to index
        %parallel_loop3A_98 = arith.constant 0 : index
        %parallel_loop3A_99 = tpu.vector_load %arg8[%parallel_loop3A_97, %parallel_loop3A_98] {strides = array<i32>} : memref<64x512xf32, #tpu.memory_space<vmem>>, vector<1x16xf32>,
        %parallel_loop3A_100 = vector.shape_cast %parallel_loop3A_99 : vector<1x16xf32> to vector<16xf32>
        %parallel_loop3A_101 = vector.shape_cast %parallel_loop3A_92 : vector<16xf32> to vector<1x16xf32>
        tpu.vector_store %arg8[%parallel_loop3A_97, %parallel_loop3A_98], %parallel_loop3A_101 {strides = array<i32>} : memref<64x512xf32, #tpu.memory_space<vmem>>, vector<1x16xf32>,
        %parallel_loop3A_102 = arith.index_cast %parallel_loop3A_84 : i32 to index
        %parallel_loop3A_103 = arith.constant 256 : index
        %parallel_loop3A_104 = tpu.vector_load %arg8[%parallel_loop3A_102, %parallel_loop3A_103] {strides = array<i32>} : memref<64x512xf32, #tpu.memory_space<vmem>>, vector<1x16xf32>,
        %parallel_loop3A_105 = vector.shape_cast %parallel_loop3A_104 : vector<1x16xf32> to vector<16xf32>
        %parallel_loop3A_106 = vector.shape_cast %parallel_loop3A_96 : vector<16xf32> to vector<1x16xf32>
        tpu.vector_store %arg8[%parallel_loop3A_102, %parallel_loop3A_103], %parallel_loop3A_106 {strides = array<i32>} : memref<64x512xf32, #tpu.memory_space<vmem>>, vector<1x16xf32>,
        %parallel_loop3A_107 = arith.index_cast %parallel_loop3A_84 : i32 to index
        %parallel_loop3A_108 = arith.constant 16 : index
        %parallel_loop3A_109 = tpu.vector_load %arg6[%parallel_loop3A_107, %parallel_loop3A_108] {strides = array<i32>} : memref<64x256xi32, #tpu.memory_space<vmem>>, vector<1x16xi32>,
        %parallel_loop3A_110 = vector.shape_cast %parallel_loop3A_109 : vector<1x16xi32> to vector<16xi32>
        %parallel_loop3A_111 = arith.constant 16 : i32
        %parallel_loop3A_112 = vector.broadcast %parallel_loop3A_111 : i32 to vector<16xi32>
        %parallel_loop3A_113 = arith.shli %parallel_loop3A_110, %parallel_loop3A_112 : vector<16xi32>
        %parallel_loop3A_114 = tpu.bitcast %parallel_loop3A_113 : vector<16xi32> -> vector<16xf32>
        %parallel_loop3A_115 = arith.constant -65536 : i32
        %parallel_loop3A_116 = vector.broadcast %parallel_loop3A_115 : i32 to vector<16xi32>
        %parallel_loop3A_117 = arith.andi %parallel_loop3A_110, %parallel_loop3A_116 : vector<16xi32>
        %parallel_loop3A_118 = tpu.bitcast %parallel_loop3A_117 : vector<16xi32> -> vector<16xf32>
        %parallel_loop3A_119 = arith.index_cast %parallel_loop3A_84 : i32 to index
        %parallel_loop3A_120 = arith.constant 16 : index
        %parallel_loop3A_121 = tpu.vector_load %arg8[%parallel_loop3A_119, %parallel_loop3A_120] {strides = array<i32>} : memref<64x512xf32, #tpu.memory_space<vmem>>, vector<1x16xf32>,
        %parallel_loop3A_122 = vector.shape_cast %parallel_loop3A_121 : vector<1x16xf32> to vector<16xf32>
        %parallel_loop3A_123 = vector.shape_cast %parallel_loop3A_114 : vector<16xf32> to vector<1x16xf32>
        tpu.vector_store %arg8[%parallel_loop3A_119, %parallel_loop3A_120], %parallel_loop3A_123 {strides = array<i32>} : memref<64x512xf32, #tpu.memory_space<vmem>>, vector<1x16xf32>,
        %parallel_loop3A_124 = arith.index_cast %parallel_loop3A_84 : i32 to index
        %parallel_loop3A_125 = arith.constant 272 : index
        %parallel_loop3A_126 = tpu.vector_load %arg8[%parallel_loop3A_124, %parallel_loop3A_125] {strides = array<i32>} : memref<64x512xf32, #tpu.memory_space<vmem>>, vector<1x16xf32>,
        %parallel_loop3A_127 = vector.shape_cast %parallel_loop3A_126 : vector<1x16xf32> to vector<16xf32>
        %parallel_loop3A_128 = vector.shape_cast %parallel_loop3A_118 : vector<16xf32> to vector<1x16xf32>
        tpu.vector_store %arg8[%parallel_loop3A_124, %parallel_loop3A_125], %parallel_loop3A_128 {strides = array<i32>} : memref<64x512xf32, #tpu.memory_space<vmem>>, vector<1x16xf32>,
        %parallel_loop3A_129 = arith.index_cast %parallel_loop3A_84 : i32 to index
        %parallel_loop3A_130 = arith.constant 32 : index
        %parallel_loop3A_131 = tpu.vector_load %arg6[%parallel_loop3A_129, %parallel_loop3A_130] {strides = array<i32>} : memref<64x256xi32, #tpu.memory_space<vmem>>, vector<1x16xi32>,
        %parallel_loop3A_132 = vector.shape_cast %parallel_loop3A_131 : vector<1x16xi32> to vector<16xi32>
        %parallel_loop3A_133 = arith.constant 16 : i32
        %parallel_loop3A_134 = vector.broadcast %parallel_loop3A_133 : i32 to vector<16xi32>
        %parallel_loop3A_135 = arith.shli %parallel_loop3A_132, %parallel_loop3A_134 : vector<16xi32>
        %parallel_loop3A_136 = tpu.bitcast %parallel_loop3A_135 : vector<16xi32> -> vector<16xf32>
        %parallel_loop3A_137 = arith.constant -65536 : i32
        %parallel_loop3A_138 = vector.broadcast %parallel_loop3A_137 : i32 to vector<16xi32>
        %parallel_loop3A_139 = arith.andi %parallel_loop3A_132, %parallel_loop3A_138 : vector<16xi32>
        %parallel_loop3A_140 = tpu.bitcast %parallel_loop3A_139 : vector<16xi32> -> vector<16xf32>
        %parallel_loop3A_141 = arith.index_cast %parallel_loop3A_84 : i32 to index
        %parallel_loop3A_142 = arith.constant 32 : index
        %parallel_loop3A_143 = tpu.vector_load %arg8[%parallel_loop3A_141, %parallel_loop3A_142] {strides = array<i32>} : memref<64x512xf32, #tpu.memory_space<vmem>>, vector<1x16xf32>,
        %parallel_loop3A_144 = vector.shape_cast %parallel_loop3A_143 : vector<1x16xf32> to vector<16xf32>
        %parallel_loop3A_145 = vector.shape_cast %parallel_loop3A_136 : vector<16xf32> to vector<1x16xf32>
        tpu.vector_store %arg8[%parallel_loop3A_141, %parallel_loop3A_142], %parallel_loop3A_145 {strides = array<i32>} : memref<64x512xf32, #tpu.memory_space<vmem>>, vector<1x16xf32>,
        %parallel_loop3A_146 = arith.index_cast %parallel_loop3A_84 : i32 to index
        %parallel_loop3A_147 = arith.constant 288 : index
        %parallel_loop3A_148 = tpu.vector_load %arg8[%parallel_loop3A_146, %parallel_loop3A_147] {strides = array<i32>} : memref<64x512xf32, #tpu.memory_space<vmem>>, vector<1x16xf32>,
        %parallel_loop3A_149 = vector.shape_cast %parallel_loop3A_148 : vector<1x16xf32> to vector<16xf32>
        %parallel_loop3A_150 = vector.shape_cast %parallel_loop3A_140 : vector<16xf32> to vector<1x16xf32>
        tpu.vector_store %arg8[%parallel_loop3A_146, %parallel_loop3A_147], %parallel_loop3A_150 {strides = array<i32>} : memref<64x512xf32, #tpu.memory_space<vmem>>, vector<1x16xf32>,
        %parallel_loop3A_151 = arith.index_cast %parallel_loop3A_84 : i32 to index
        %parallel_loop3A_152 = arith.constant 48 : index
        %parallel_loop3A_153 = tpu.vector_load %arg6[%parallel_loop3A_151, %parallel_loop3A_152] {strides = array<i32>} : memref<64x256xi32, #tpu.memory_space<vmem>>, vector<1x16xi32>,
        %parallel_loop3A_154 = vector.shape_cast %parallel_loop3A_153 : vector<1x16xi32> to vector<16xi32>
        %parallel_loop3A_155 = arith.constant 16 : i32
        %parallel_loop3A_156 = vector.broadcast %parallel_loop3A_155 : i32 to vector<16xi32>
        %parallel_loop3A_157 = arith.shli %parallel_loop3A_154, %parallel_loop3A_156 : vector<16xi32>
        %parallel_loop3A_158 = tpu.bitcast %parallel_loop3A_157 : vector<16xi32> -> vector<16xf32>
        %parallel_loop3A_159 = arith.constant -65536 : i32
        %parallel_loop3A_160 = vector.broadcast %parallel_loop3A_159 : i32 to vector<16xi32>
        %parallel_loop3A_161 = arith.andi %parallel_loop3A_154, %parallel_loop3A_160 : vector<16xi32>
        %parallel_loop3A_162 = tpu.bitcast %parallel_loop3A_161 : vector<16xi32> -> vector<16xf32>
        %parallel_loop3A_163 = arith.index_cast %parallel_loop3A_84 : i32 to index
        %parallel_loop3A_164 = arith.constant 48 : index
        %parallel_loop3A_165 = tpu.vector_load %arg8[%parallel_loop3A_163, %parallel_loop3A_164] {strides = array<i32>} : memref<64x512xf32, #tpu.memory_space<vmem>>, vector<1x16xf32>,
        %parallel_loop3A_166 = vector.shape_cast %parallel_loop3A_165 : vector<1x16xf32> to vector<16xf32>
        %parallel_loop3A_167 = vector.shape_cast %parallel_loop3A_158 : vector<16xf32> to vector<1x16xf32>
        tpu.vector_store %arg8[%parallel_loop3A_163, %parallel_loop3A_164], %parallel_loop3A_167 {strides = array<i32>} : memref<64x512xf32, #tpu.memory_space<vmem>>, vector<1x16xf32>,
        %parallel_loop3A_168 = arith.index_cast %parallel_loop3A_84 : i32 to index
        %parallel_loop3A_169 = arith.constant 304 : index
        %parallel_loop3A_170 = tpu.vector_load %arg8[%parallel_loop3A_168, %parallel_loop3A_169] {strides = array<i32>} : memref<64x512xf32, #tpu.memory_space<vmem>>, vector<1x16xf32>,
        %parallel_loop3A_171 = vector.shape_cast %parallel_loop3A_170 : vector<1x16xf32> to vector<16xf32>
        %parallel_loop3A_172 = vector.shape_cast %parallel_loop3A_162 : vector<16xf32> to vector<1x16xf32>
        tpu.vector_store %arg8[%parallel_loop3A_168, %parallel_loop3A_169], %parallel_loop3A_172 {strides = array<i32>} : memref<64x512xf32, #tpu.memory_space<vmem>>, vector<1x16xf32>,
        %parallel_loop3A_173 = arith.index_cast %parallel_loop3A_84 : i32 to index
        %parallel_loop3A_174 = arith.constant 64 : index
        %parallel_loop3A_175 = tpu.vector_load %arg6[%parallel_loop3A_173, %parallel_loop3A_174] {strides = array<i32>} : memref<64x256xi32, #tpu.memory_space<vmem>>, vector<1x16xi32>,
        %parallel_loop3A_176 = vector.shape_cast %parallel_loop3A_175 : vector<1x16xi32> to vector<16xi32>
        %parallel_loop3A_177 = arith.constant 16 : i32
        %parallel_loop3A_178 = vector.broadcast %parallel_loop3A_177 : i32 to vector<16xi32>
        %parallel_loop3A_179 = arith.shli %parallel_loop3A_176, %parallel_loop3A_178 : vector<16xi32>
        %parallel_loop3A_180 = tpu.bitcast %parallel_loop3A_179 : vector<16xi32> -> vector<16xf32>
        %parallel_loop3A_181 = arith.constant -65536 : i32
        %parallel_loop3A_182 = vector.broadcast %parallel_loop3A_181 : i32 to vector<16xi32>
        %parallel_loop3A_183 = arith.andi %parallel_loop3A_176, %parallel_loop3A_182 : vector<16xi32>
        %parallel_loop3A_184 = tpu.bitcast %parallel_loop3A_183 : vector<16xi32> -> vector<16xf32>
        %parallel_loop3A_185 = arith.index_cast %parallel_loop3A_84 : i32 to index
        %parallel_loop3A_186 = arith.constant 64 : index
        %parallel_loop3A_187 = tpu.vector_load %arg8[%parallel_loop3A_185, %parallel_loop3A_186] {strides = array<i32>} : memref<64x512xf32, #tpu.memory_space<vmem>>, vector<1x16xf32>,
        %parallel_loop3A_188 = vector.shape_cast %parallel_loop3A_187 : vector<1x16xf32> to vector<16xf32>
        %parallel_loop3A_189 = vector.shape_cast %parallel_loop3A_180 : vector<16xf32> to vector<1x16xf32>
        tpu.vector_store %arg8[%parallel_loop3A_185, %parallel_loop3A_186], %parallel_loop3A_189 {strides = array<i32>} : memref<64x512xf32, #tpu.memory_space<vmem>>, vector<1x16xf32>,
        %parallel_loop3A_190 = arith.index_cast %parallel_loop3A_84 : i32 to index
        %parallel_loop3A_191 = arith.constant 320 : index
        %parallel_loop3A_192 = tpu.vector_load %arg8[%parallel_loop3A_190, %parallel_loop3A_191] {strides = array<i32>} : memref<64x512xf32, #tpu.memory_space<vmem>>, vector<1x16xf32>,
        %parallel_loop3A_193 = vector.shape_cast %parallel_loop3A_192 : vector<1x16xf32> to vector<16xf32>
        %parallel_loop3A_194 = vector.shape_cast %parallel_loop3A_184 : vector<16xf32> to vector<1x16xf32>
        tpu.vector_store %arg8[%parallel_loop3A_190, %parallel_loop3A_191], %parallel_loop3A_194 {strides = array<i32>} : memref<64x512xf32, #tpu.memory_space<vmem>>, vector<1x16xf32>,
        %parallel_loop3A_195 = arith.index_cast %parallel_loop3A_84 : i32 to index
        %parallel_loop3A_196 = arith.constant 80 : index
        %parallel_loop3A_197 = tpu.vector_load %arg6[%parallel_loop3A_195, %parallel_loop3A_196] {strides = array<i32>} : memref<64x256xi32, #tpu.memory_space<vmem>>, vector<1x16xi32>,
        %parallel_loop3A_198 = vector.shape_cast %parallel_loop3A_197 : vector<1x16xi32> to vector<16xi32>
        %parallel_loop3A_199 = arith.constant 16 : i32
        %parallel_loop3A_200 = vector.broadcast %parallel_loop3A_199 : i32 to vector<16xi32>
        %parallel_loop3A_201 = arith.shli %parallel_loop3A_198, %parallel_loop3A_200 : vector<16xi32>
        %parallel_loop3A_202 = tpu.bitcast %parallel_loop3A_201 : vector<16xi32> -> vector<16xf32>
        %parallel_loop3A_203 = arith.constant -65536 : i32
        %parallel_loop3A_204 = vector.broadcast %parallel_loop3A_203 : i32 to vector<16xi32>
        %parallel_loop3A_205 = arith.andi %parallel_loop3A_198, %parallel_loop3A_204 : vector<16xi32>
        %parallel_loop3A_206 = tpu.bitcast %parallel_loop3A_205 : vector<16xi32> -> vector<16xf32>
        %parallel_loop3A_207 = arith.index_cast %parallel_loop3A_84 : i32 to index
        %parallel_loop3A_208 = arith.constant 80 : index
        %parallel_loop3A_209 = tpu.vector_load %arg8[%parallel_loop3A_207, %parallel_loop3A_208] {strides = array<i32>} : memref<64x512xf32, #tpu.memory_space<vmem>>, vector<1x16xf32>,
        %parallel_loop3A_210 = vector.shape_cast %parallel_loop3A_209 : vector<1x16xf32> to vector<16xf32>
        %parallel_loop3A_211 = vector.shape_cast %parallel_loop3A_202 : vector<16xf32> to vector<1x16xf32>
        tpu.vector_store %arg8[%parallel_loop3A_207, %parallel_loop3A_208], %parallel_loop3A_211 {strides = array<i32>} : memref<64x512xf32, #tpu.memory_space<vmem>>, vector<1x16xf32>,
        %parallel_loop3A_212 = arith.index_cast %parallel_loop3A_84 : i32 to index
        %parallel_loop3A_213 = arith.constant 336 : index
        %parallel_loop3A_214 = tpu.vector_load %arg8[%parallel_loop3A_212, %parallel_loop3A_213] {strides = array<i32>} : memref<64x512xf32, #tpu.memory_space<vmem>>, vector<1x16xf32>,
        %parallel_loop3A_215 = vector.shape_cast %parallel_loop3A_214 : vector<1x16xf32> to vector<16xf32>
        %parallel_loop3A_216 = vector.shape_cast %parallel_loop3A_206 : vector<16xf32> to vector<1x16xf32>
        tpu.vector_store %arg8[%parallel_loop3A_212, %parallel_loop3A_213], %parallel_loop3A_216 {strides = array<i32>} : memref<64x512xf32, #tpu.memory_space<vmem>>, vector<1x16xf32>,
        %parallel_loop3A_217 = arith.index_cast %parallel_loop3A_84 : i32 to index
        %parallel_loop3A_218 = arith.constant 96 : index
        %parallel_loop3A_219 = tpu.vector_load %arg6[%parallel_loop3A_217, %parallel_loop3A_218] {strides = array<i32>} : memref<64x256xi32, #tpu.memory_space<vmem>>, vector<1x16xi32>,
        %parallel_loop3A_220 = vector.shape_cast %parallel_loop3A_219 : vector<1x16xi32> to vector<16xi32>
        %parallel_loop3A_221 = arith.constant 16 : i32
        %parallel_loop3A_222 = vector.broadcast %parallel_loop3A_221 : i32 to vector<16xi32>
        %parallel_loop3A_223 = arith.shli %parallel_loop3A_220, %parallel_loop3A_222 : vector<16xi32>
        %parallel_loop3A_224 = tpu.bitcast %parallel_loop3A_223 : vector<16xi32> -> vector<16xf32>
        %parallel_loop3A_225 = arith.constant -65536 : i32
        %parallel_loop3A_226 = vector.broadcast %parallel_loop3A_225 : i32 to vector<16xi32>
        %parallel_loop3A_227 = arith.andi %parallel_loop3A_220, %parallel_loop3A_226 : vector<16xi32>
        %parallel_loop3A_228 = tpu.bitcast %parallel_loop3A_227 : vector<16xi32> -> vector<16xf32>
        %parallel_loop3A_229 = arith.index_cast %parallel_loop3A_84 : i32 to index
        %parallel_loop3A_230 = arith.constant 96 : index
        %parallel_loop3A_231 = tpu.vector_load %arg8[%parallel_loop3A_229, %parallel_loop3A_230] {strides = array<i32>} : memref<64x512xf32, #tpu.memory_space<vmem>>, vector<1x16xf32>,
        %parallel_loop3A_232 = vector.shape_cast %parallel_loop3A_231 : vector<1x16xf32> to vector<16xf32>
        %parallel_loop3A_233 = vector.shape_cast %parallel_loop3A_224 : vector<16xf32> to vector<1x16xf32>
        tpu.vector_store %arg8[%parallel_loop3A_229, %parallel_loop3A_230], %parallel_loop3A_233 {strides = array<i32>} : memref<64x512xf32, #tpu.memory_space<vmem>>, vector<1x16xf32>,
        %parallel_loop3A_234 = arith.index_cast %parallel_loop3A_84 : i32 to index
        %parallel_loop3A_235 = arith.constant 352 : index
        %parallel_loop3A_236 = tpu.vector_load %arg8[%parallel_loop3A_234, %parallel_loop3A_235] {strides = array<i32>} : memref<64x512xf32, #tpu.memory_space<vmem>>, vector<1x16xf32>,
        %parallel_loop3A_237 = vector.shape_cast %parallel_loop3A_236 : vector<1x16xf32> to vector<16xf32>
        %parallel_loop3A_238 = vector.shape_cast %parallel_loop3A_228 : vector<16xf32> to vector<1x16xf32>
        tpu.vector_store %arg8[%parallel_loop3A_234, %parallel_loop3A_235], %parallel_loop3A_238 {strides = array<i32>} : memref<64x512xf32, #tpu.memory_space<vmem>>, vector<1x16xf32>,
        %parallel_loop3A_239 = arith.index_cast %parallel_loop3A_84 : i32 to index
        %parallel_loop3A_240 = arith.constant 112 : index
        %parallel_loop3A_241 = tpu.vector_load %arg6[%parallel_loop3A_239, %parallel_loop3A_240] {strides = array<i32>} : memref<64x256xi32, #tpu.memory_space<vmem>>, vector<1x16xi32>,
        %parallel_loop3A_242 = vector.shape_cast %parallel_loop3A_241 : vector<1x16xi32> to vector<16xi32>
        %parallel_loop3A_243 = arith.constant 16 : i32
        %parallel_loop3A_244 = vector.broadcast %parallel_loop3A_243 : i32 to vector<16xi32>
        %parallel_loop3A_245 = arith.shli %parallel_loop3A_242, %parallel_loop3A_244 : vector<16xi32>
        %parallel_loop3A_246 = tpu.bitcast %parallel_loop3A_245 : vector<16xi32> -> vector<16xf32>
        %parallel_loop3A_247 = arith.constant -65536 : i32
        %parallel_loop3A_248 = vector.broadcast %parallel_loop3A_247 : i32 to vector<16xi32>
        %parallel_loop3A_249 = arith.andi %parallel_loop3A_242, %parallel_loop3A_248 : vector<16xi32>
        %parallel_loop3A_250 = tpu.bitcast %parallel_loop3A_249 : vector<16xi32> -> vector<16xf32>
        %parallel_loop3A_251 = arith.index_cast %parallel_loop3A_84 : i32 to index
        %parallel_loop3A_252 = arith.constant 112 : index
        %parallel_loop3A_253 = tpu.vector_load %arg8[%parallel_loop3A_251, %parallel_loop3A_252] {strides = array<i32>} : memref<64x512xf32, #tpu.memory_space<vmem>>, vector<1x16xf32>,
        %parallel_loop3A_254 = vector.shape_cast %parallel_loop3A_253 : vector<1x16xf32> to vector<16xf32>
        %parallel_loop3A_255 = vector.shape_cast %parallel_loop3A_246 : vector<16xf32> to vector<1x16xf32>
        tpu.vector_store %arg8[%parallel_loop3A_251, %parallel_loop3A_252], %parallel_loop3A_255 {strides = array<i32>} : memref<64x512xf32, #tpu.memory_space<vmem>>, vector<1x16xf32>,
        %parallel_loop3A_256 = arith.index_cast %parallel_loop3A_84 : i32 to index
        %parallel_loop3A_257 = arith.constant 368 : index
        %parallel_loop3A_258 = tpu.vector_load %arg8[%parallel_loop3A_256, %parallel_loop3A_257] {strides = array<i32>} : memref<64x512xf32, #tpu.memory_space<vmem>>, vector<1x16xf32>,
        %parallel_loop3A_259 = vector.shape_cast %parallel_loop3A_258 : vector<1x16xf32> to vector<16xf32>
        %parallel_loop3A_260 = vector.shape_cast %parallel_loop3A_250 : vector<16xf32> to vector<1x16xf32>
        tpu.vector_store %arg8[%parallel_loop3A_256, %parallel_loop3A_257], %parallel_loop3A_260 {strides = array<i32>} : memref<64x512xf32, #tpu.memory_space<vmem>>, vector<1x16xf32>,
        %parallel_loop3A_261 = arith.index_cast %parallel_loop3A_84 : i32 to index
        %parallel_loop3A_262 = arith.constant 128 : index
        %parallel_loop3A_263 = tpu.vector_load %arg6[%parallel_loop3A_261, %parallel_loop3A_262] {strides = array<i32>} : memref<64x256xi32, #tpu.memory_space<vmem>>, vector<1x16xi32>,
        %parallel_loop3A_264 = vector.shape_cast %parallel_loop3A_263 : vector<1x16xi32> to vector<16xi32>
        %parallel_loop3A_265 = arith.constant 16 : i32
        %parallel_loop3A_266 = vector.broadcast %parallel_loop3A_265 : i32 to vector<16xi32>
        %parallel_loop3A_267 = arith.shli %parallel_loop3A_264, %parallel_loop3A_266 : vector<16xi32>
        %parallel_loop3A_268 = tpu.bitcast %parallel_loop3A_267 : vector<16xi32> -> vector<16xf32>
        %parallel_loop3A_269 = arith.constant -65536 : i32
        %parallel_loop3A_270 = vector.broadcast %parallel_loop3A_269 : i32 to vector<16xi32>
        %parallel_loop3A_271 = arith.andi %parallel_loop3A_264, %parallel_loop3A_270 : vector<16xi32>
        %parallel_loop3A_272 = tpu.bitcast %parallel_loop3A_271 : vector<16xi32> -> vector<16xf32>
        %parallel_loop3A_273 = arith.index_cast %parallel_loop3A_84 : i32 to index
        %parallel_loop3A_274 = arith.constant 128 : index
        %parallel_loop3A_275 = tpu.vector_load %arg8[%parallel_loop3A_273, %parallel_loop3A_274] {strides = array<i32>} : memref<64x512xf32, #tpu.memory_space<vmem>>, vector<1x16xf32>,
        %parallel_loop3A_276 = vector.shape_cast %parallel_loop3A_275 : vector<1x16xf32> to vector<16xf32>
        %parallel_loop3A_277 = vector.shape_cast %parallel_loop3A_268 : vector<16xf32> to vector<1x16xf32>
        tpu.vector_store %arg8[%parallel_loop3A_273, %parallel_loop3A_274], %parallel_loop3A_277 {strides = array<i32>} : memref<64x512xf32, #tpu.memory_space<vmem>>, vector<1x16xf32>,
        %parallel_loop3A_278 = arith.index_cast %parallel_loop3A_84 : i32 to index
        %parallel_loop3A_279 = arith.constant 384 : index
        %parallel_loop3A_280 = tpu.vector_load %arg8[%parallel_loop3A_278, %parallel_loop3A_279] {strides = array<i32>} : memref<64x512xf32, #tpu.memory_space<vmem>>, vector<1x16xf32>,
        %parallel_loop3A_281 = vector.shape_cast %parallel_loop3A_280 : vector<1x16xf32> to vector<16xf32>
        %parallel_loop3A_282 = vector.shape_cast %parallel_loop3A_272 : vector<16xf32> to vector<1x16xf32>
        tpu.vector_store %arg8[%parallel_loop3A_278, %parallel_loop3A_279], %parallel_loop3A_282 {strides = array<i32>} : memref<64x512xf32, #tpu.memory_space<vmem>>, vector<1x16xf32>,
        %parallel_loop3A_283 = arith.index_cast %parallel_loop3A_84 : i32 to index
        %parallel_loop3A_284 = arith.constant 144 : index
        %parallel_loop3A_285 = tpu.vector_load %arg6[%parallel_loop3A_283, %parallel_loop3A_284] {strides = array<i32>} : memref<64x256xi32, #tpu.memory_space<vmem>>, vector<1x16xi32>,
        %parallel_loop3A_286 = vector.shape_cast %parallel_loop3A_285 : vector<1x16xi32> to vector<16xi32>
        %parallel_loop3A_287 = arith.constant 16 : i32
        %parallel_loop3A_288 = vector.broadcast %parallel_loop3A_287 : i32 to vector<16xi32>
        %parallel_loop3A_289 = arith.shli %parallel_loop3A_286, %parallel_loop3A_288 : vector<16xi32>
        %parallel_loop3A_290 = tpu.bitcast %parallel_loop3A_289 : vector<16xi32> -> vector<16xf32>
        %parallel_loop3A_291 = arith.constant -65536 : i32
        %parallel_loop3A_292 = vector.broadcast %parallel_loop3A_291 : i32 to vector<16xi32>
        %parallel_loop3A_293 = arith.andi %parallel_loop3A_286, %parallel_loop3A_292 : vector<16xi32>
        %parallel_loop3A_294 = tpu.bitcast %parallel_loop3A_293 : vector<16xi32> -> vector<16xf32>
        %parallel_loop3A_295 = arith.index_cast %parallel_loop3A_84 : i32 to index
        %parallel_loop3A_296 = arith.constant 144 : index
        %parallel_loop3A_297 = tpu.vector_load %arg8[%parallel_loop3A_295, %parallel_loop3A_296] {strides = array<i32>} : memref<64x512xf32, #tpu.memory_space<vmem>>, vector<1x16xf32>,
        %parallel_loop3A_298 = vector.shape_cast %parallel_loop3A_297 : vector<1x16xf32> to vector<16xf32>
        %parallel_loop3A_299 = vector.shape_cast %parallel_loop3A_290 : vector<16xf32> to vector<1x16xf32>
        tpu.vector_store %arg8[%parallel_loop3A_295, %parallel_loop3A_296], %parallel_loop3A_299 {strides = array<i32>} : memref<64x512xf32, #tpu.memory_space<vmem>>, vector<1x16xf32>,
        %parallel_loop3A_300 = arith.index_cast %parallel_loop3A_84 : i32 to index
        %parallel_loop3A_301 = arith.constant 400 : index
        %parallel_loop3A_302 = tpu.vector_load %arg8[%parallel_loop3A_300, %parallel_loop3A_301] {strides = array<i32>} : memref<64x512xf32, #tpu.memory_space<vmem>>, vector<1x16xf32>,
        %parallel_loop3A_303 = vector.shape_cast %parallel_loop3A_302 : vector<1x16xf32> to vector<16xf32>
        %parallel_loop3A_304 = vector.shape_cast %parallel_loop3A_294 : vector<16xf32> to vector<1x16xf32>
        tpu.vector_store %arg8[%parallel_loop3A_300, %parallel_loop3A_301], %parallel_loop3A_304 {strides = array<i32>} : memref<64x512xf32, #tpu.memory_space<vmem>>, vector<1x16xf32>,
        %parallel_loop3A_305 = arith.index_cast %parallel_loop3A_84 : i32 to index
        %parallel_loop3A_306 = arith.constant 160 : index
        %parallel_loop3A_307 = tpu.vector_load %arg6[%parallel_loop3A_305, %parallel_loop3A_306] {strides = array<i32>} : memref<64x256xi32, #tpu.memory_space<vmem>>, vector<1x16xi32>,
        %parallel_loop3A_308 = vector.shape_cast %parallel_loop3A_307 : vector<1x16xi32> to vector<16xi32>
        %parallel_loop3A_309 = arith.constant 16 : i32
        %parallel_loop3A_310 = vector.broadcast %parallel_loop3A_309 : i32 to vector<16xi32>
        %parallel_loop3A_311 = arith.shli %parallel_loop3A_308, %parallel_loop3A_310 : vector<16xi32>
        %parallel_loop3A_312 = tpu.bitcast %parallel_loop3A_311 : vector<16xi32> -> vector<16xf32>
        %parallel_loop3A_313 = arith.constant -65536 : i32
        %parallel_loop3A_314 = vector.broadcast %parallel_loop3A_313 : i32 to vector<16xi32>
        %parallel_loop3A_315 = arith.andi %parallel_loop3A_308, %parallel_loop3A_314 : vector<16xi32>
        %parallel_loop3A_316 = tpu.bitcast %parallel_loop3A_315 : vector<16xi32> -> vector<16xf32>
        %parallel_loop3A_317 = arith.index_cast %parallel_loop3A_84 : i32 to index
        %parallel_loop3A_318 = arith.constant 160 : index
        %parallel_loop3A_319 = tpu.vector_load %arg8[%parallel_loop3A_317, %parallel_loop3A_318] {strides = array<i32>} : memref<64x512xf32, #tpu.memory_space<vmem>>, vector<1x16xf32>,
        %parallel_loop3A_320 = vector.shape_cast %parallel_loop3A_319 : vector<1x16xf32> to vector<16xf32>
        %parallel_loop3A_321 = vector.shape_cast %parallel_loop3A_312 : vector<16xf32> to vector<1x16xf32>
        tpu.vector_store %arg8[%parallel_loop3A_317, %parallel_loop3A_318], %parallel_loop3A_321 {strides = array<i32>} : memref<64x512xf32, #tpu.memory_space<vmem>>, vector<1x16xf32>,
        %parallel_loop3A_322 = arith.index_cast %parallel_loop3A_84 : i32 to index
        %parallel_loop3A_323 = arith.constant 416 : index
        %parallel_loop3A_324 = tpu.vector_load %arg8[%parallel_loop3A_322, %parallel_loop3A_323] {strides = array<i32>} : memref<64x512xf32, #tpu.memory_space<vmem>>, vector<1x16xf32>,
        %parallel_loop3A_325 = vector.shape_cast %parallel_loop3A_324 : vector<1x16xf32> to vector<16xf32>
        %parallel_loop3A_326 = vector.shape_cast %parallel_loop3A_316 : vector<16xf32> to vector<1x16xf32>
        tpu.vector_store %arg8[%parallel_loop3A_322, %parallel_loop3A_323], %parallel_loop3A_326 {strides = array<i32>} : memref<64x512xf32, #tpu.memory_space<vmem>>, vector<1x16xf32>,
        %parallel_loop3A_327 = arith.index_cast %parallel_loop3A_84 : i32 to index
        %parallel_loop3A_328 = arith.constant 176 : index
        %parallel_loop3A_329 = tpu.vector_load %arg6[%parallel_loop3A_327, %parallel_loop3A_328] {strides = array<i32>} : memref<64x256xi32, #tpu.memory_space<vmem>>, vector<1x16xi32>,
        %parallel_loop3A_330 = vector.shape_cast %parallel_loop3A_329 : vector<1x16xi32> to vector<16xi32>
        %parallel_loop3A_331 = arith.constant 16 : i32
        %parallel_loop3A_332 = vector.broadcast %parallel_loop3A_331 : i32 to vector<16xi32>
        %parallel_loop3A_333 = arith.shli %parallel_loop3A_330, %parallel_loop3A_332 : vector<16xi32>
        %parallel_loop3A_334 = tpu.bitcast %parallel_loop3A_333 : vector<16xi32> -> vector<16xf32>
        %parallel_loop3A_335 = arith.constant -65536 : i32
        %parallel_loop3A_336 = vector.broadcast %parallel_loop3A_335 : i32 to vector<16xi32>
        %parallel_loop3A_337 = arith.andi %parallel_loop3A_330, %parallel_loop3A_336 : vector<16xi32>
        %parallel_loop3A_338 = tpu.bitcast %parallel_loop3A_337 : vector<16xi32> -> vector<16xf32>
        %parallel_loop3A_339 = arith.index_cast %parallel_loop3A_84 : i32 to index
        %parallel_loop3A_340 = arith.constant 176 : index
        %parallel_loop3A_341 = tpu.vector_load %arg8[%parallel_loop3A_339, %parallel_loop3A_340] {strides = array<i32>} : memref<64x512xf32, #tpu.memory_space<vmem>>, vector<1x16xf32>,
        %parallel_loop3A_342 = vector.shape_cast %parallel_loop3A_341 : vector<1x16xf32> to vector<16xf32>
        %parallel_loop3A_343 = vector.shape_cast %parallel_loop3A_334 : vector<16xf32> to vector<1x16xf32>
        tpu.vector_store %arg8[%parallel_loop3A_339, %parallel_loop3A_340], %parallel_loop3A_343 {strides = array<i32>} : memref<64x512xf32, #tpu.memory_space<vmem>>, vector<1x16xf32>,
        %parallel_loop3A_344 = arith.index_cast %parallel_loop3A_84 : i32 to index
        %parallel_loop3A_345 = arith.constant 432 : index
        %parallel_loop3A_346 = tpu.vector_load %arg8[%parallel_loop3A_344, %parallel_loop3A_345] {strides = array<i32>} : memref<64x512xf32, #tpu.memory_space<vmem>>, vector<1x16xf32>,
        %parallel_loop3A_347 = vector.shape_cast %parallel_loop3A_346 : vector<1x16xf32> to vector<16xf32>
        %parallel_loop3A_348 = vector.shape_cast %parallel_loop3A_338 : vector<16xf32> to vector<1x16xf32>
        tpu.vector_store %arg8[%parallel_loop3A_344, %parallel_loop3A_345], %parallel_loop3A_348 {strides = array<i32>} : memref<64x512xf32, #tpu.memory_space<vmem>>, vector<1x16xf32>,
        %parallel_loop3A_349 = arith.index_cast %parallel_loop3A_84 : i32 to index
        %parallel_loop3A_350 = arith.constant 192 : index
        %parallel_loop3A_351 = tpu.vector_load %arg6[%parallel_loop3A_349, %parallel_loop3A_350] {strides = array<i32>} : memref<64x256xi32, #tpu.memory_space<vmem>>, vector<1x16xi32>,
        %parallel_loop3A_352 = vector.shape_cast %parallel_loop3A_351 : vector<1x16xi32> to vector<16xi32>
        %parallel_loop3A_353 = arith.constant 16 : i32
        %parallel_loop3A_354 = vector.broadcast %parallel_loop3A_353 : i32 to vector<16xi32>
        %parallel_loop3A_355 = arith.shli %parallel_loop3A_352, %parallel_loop3A_354 : vector<16xi32>
        %parallel_loop3A_356 = tpu.bitcast %parallel_loop3A_355 : vector<16xi32> -> vector<16xf32>
        %parallel_loop3A_357 = arith.constant -65536 : i32
        %parallel_loop3A_358 = vector.broadcast %parallel_loop3A_357 : i32 to vector<16xi32>
        %parallel_loop3A_359 = arith.andi %parallel_loop3A_352, %parallel_loop3A_358 : vector<16xi32>
        %parallel_loop3A_360 = tpu.bitcast %parallel_loop3A_359 : vector<16xi32> -> vector<16xf32>
        %parallel_loop3A_361 = arith.index_cast %parallel_loop3A_84 : i32 to index
        %parallel_loop3A_362 = arith.constant 192 : index
        %parallel_loop3A_363 = tpu.vector_load %arg8[%parallel_loop3A_361, %parallel_loop3A_362] {strides = array<i32>} : memref<64x512xf32, #tpu.memory_space<vmem>>, vector<1x16xf32>,
        %parallel_loop3A_364 = vector.shape_cast %parallel_loop3A_363 : vector<1x16xf32> to vector<16xf32>
        %parallel_loop3A_365 = vector.shape_cast %parallel_loop3A_356 : vector<16xf32> to vector<1x16xf32>
        tpu.vector_store %arg8[%parallel_loop3A_361, %parallel_loop3A_362], %parallel_loop3A_365 {strides = array<i32>} : memref<64x512xf32, #tpu.memory_space<vmem>>, vector<1x16xf32>,
        %parallel_loop3A_366 = arith.index_cast %parallel_loop3A_84 : i32 to index
        %parallel_loop3A_367 = arith.constant 448 : index
        %parallel_loop3A_368 = tpu.vector_load %arg8[%parallel_loop3A_366, %parallel_loop3A_367] {strides = array<i32>} : memref<64x512xf32, #tpu.memory_space<vmem>>, vector<1x16xf32>,
        %parallel_loop3A_369 = vector.shape_cast %parallel_loop3A_368 : vector<1x16xf32> to vector<16xf32>
        %parallel_loop3A_370 = vector.shape_cast %parallel_loop3A_360 : vector<16xf32> to vector<1x16xf32>
        tpu.vector_store %arg8[%parallel_loop3A_366, %parallel_loop3A_367], %parallel_loop3A_370 {strides = array<i32>} : memref<64x512xf32, #tpu.memory_space<vmem>>, vector<1x16xf32>,
        %parallel_loop3A_371 = arith.index_cast %parallel_loop3A_84 : i32 to index
        %parallel_loop3A_372 = arith.constant 208 : index
        %parallel_loop3A_373 = tpu.vector_load %arg6[%parallel_loop3A_371, %parallel_loop3A_372] {strides = array<i32>} : memref<64x256xi32, #tpu.memory_space<vmem>>, vector<1x16xi32>,
        %parallel_loop3A_374 = vector.shape_cast %parallel_loop3A_373 : vector<1x16xi32> to vector<16xi32>
        %parallel_loop3A_375 = arith.constant 16 : i32
        %parallel_loop3A_376 = vector.broadcast %parallel_loop3A_375 : i32 to vector<16xi32>
        %parallel_loop3A_377 = arith.shli %parallel_loop3A_374, %parallel_loop3A_376 : vector<16xi32>
        %parallel_loop3A_378 = tpu.bitcast %parallel_loop3A_377 : vector<16xi32> -> vector<16xf32>
        %parallel_loop3A_379 = arith.constant -65536 : i32
        %parallel_loop3A_380 = vector.broadcast %parallel_loop3A_379 : i32 to vector<16xi32>
        %parallel_loop3A_381 = arith.andi %parallel_loop3A_374, %parallel_loop3A_380 : vector<16xi32>
        %parallel_loop3A_382 = tpu.bitcast %parallel_loop3A_381 : vector<16xi32> -> vector<16xf32>
        %parallel_loop3A_383 = arith.index_cast %parallel_loop3A_84 : i32 to index
        %parallel_loop3A_384 = arith.constant 208 : index
        %parallel_loop3A_385 = tpu.vector_load %arg8[%parallel_loop3A_383, %parallel_loop3A_384] {strides = array<i32>} : memref<64x512xf32, #tpu.memory_space<vmem>>, vector<1x16xf32>,
        %parallel_loop3A_386 = vector.shape_cast %parallel_loop3A_385 : vector<1x16xf32> to vector<16xf32>
        %parallel_loop3A_387 = vector.shape_cast %parallel_loop3A_378 : vector<16xf32> to vector<1x16xf32>
        tpu.vector_store %arg8[%parallel_loop3A_383, %parallel_loop3A_384], %parallel_loop3A_387 {strides = array<i32>} : memref<64x512xf32, #tpu.memory_space<vmem>>, vector<1x16xf32>,
        %parallel_loop3A_388 = arith.index_cast %parallel_loop3A_84 : i32 to index
        %parallel_loop3A_389 = arith.constant 464 : index
        %parallel_loop3A_390 = tpu.vector_load %arg8[%parallel_loop3A_388, %parallel_loop3A_389] {strides = array<i32>} : memref<64x512xf32, #tpu.memory_space<vmem>>, vector<1x16xf32>,
        %parallel_loop3A_391 = vector.shape_cast %parallel_loop3A_390 : vector<1x16xf32> to vector<16xf32>
        %parallel_loop3A_392 = vector.shape_cast %parallel_loop3A_382 : vector<16xf32> to vector<1x16xf32>
        tpu.vector_store %arg8[%parallel_loop3A_388, %parallel_loop3A_389], %parallel_loop3A_392 {strides = array<i32>} : memref<64x512xf32, #tpu.memory_space<vmem>>, vector<1x16xf32>,
        %parallel_loop3A_393 = arith.index_cast %parallel_loop3A_84 : i32 to index
        %parallel_loop3A_394 = arith.constant 224 : index
        %parallel_loop3A_395 = tpu.vector_load %arg6[%parallel_loop3A_393, %parallel_loop3A_394] {strides = array<i32>} : memref<64x256xi32, #tpu.memory_space<vmem>>, vector<1x16xi32>,
        %parallel_loop3A_396 = vector.shape_cast %parallel_loop3A_395 : vector<1x16xi32> to vector<16xi32>
        %parallel_loop3A_397 = arith.constant 16 : i32
        %parallel_loop3A_398 = vector.broadcast %parallel_loop3A_397 : i32 to vector<16xi32>
        %parallel_loop3A_399 = arith.shli %parallel_loop3A_396, %parallel_loop3A_398 : vector<16xi32>
        %parallel_loop3A_400 = tpu.bitcast %parallel_loop3A_399 : vector<16xi32> -> vector<16xf32>
        %parallel_loop3A_401 = arith.constant -65536 : i32
        %parallel_loop3A_402 = vector.broadcast %parallel_loop3A_401 : i32 to vector<16xi32>
        %parallel_loop3A_403 = arith.andi %parallel_loop3A_396, %parallel_loop3A_402 : vector<16xi32>
        %parallel_loop3A_404 = tpu.bitcast %parallel_loop3A_403 : vector<16xi32> -> vector<16xf32>
        %parallel_loop3A_405 = arith.index_cast %parallel_loop3A_84 : i32 to index
        %parallel_loop3A_406 = arith.constant 224 : index
        %parallel_loop3A_407 = tpu.vector_load %arg8[%parallel_loop3A_405, %parallel_loop3A_406] {strides = array<i32>} : memref<64x512xf32, #tpu.memory_space<vmem>>, vector<1x16xf32>,
        %parallel_loop3A_408 = vector.shape_cast %parallel_loop3A_407 : vector<1x16xf32> to vector<16xf32>
        %parallel_loop3A_409 = vector.shape_cast %parallel_loop3A_400 : vector<16xf32> to vector<1x16xf32>
        tpu.vector_store %arg8[%parallel_loop3A_405, %parallel_loop3A_406], %parallel_loop3A_409 {strides = array<i32>} : memref<64x512xf32, #tpu.memory_space<vmem>>, vector<1x16xf32>,
        %parallel_loop3A_410 = arith.index_cast %parallel_loop3A_84 : i32 to index
        %parallel_loop3A_411 = arith.constant 480 : index
        %parallel_loop3A_412 = tpu.vector_load %arg8[%parallel_loop3A_410, %parallel_loop3A_411] {strides = array<i32>} : memref<64x512xf32, #tpu.memory_space<vmem>>, vector<1x16xf32>,
        %parallel_loop3A_413 = vector.shape_cast %parallel_loop3A_412 : vector<1x16xf32> to vector<16xf32>
        %parallel_loop3A_414 = vector.shape_cast %parallel_loop3A_404 : vector<16xf32> to vector<1x16xf32>
        tpu.vector_store %arg8[%parallel_loop3A_410, %parallel_loop3A_411], %parallel_loop3A_414 {strides = array<i32>} : memref<64x512xf32, #tpu.memory_space<vmem>>, vector<1x16xf32>,
        %parallel_loop3A_415 = arith.index_cast %parallel_loop3A_84 : i32 to index
        %parallel_loop3A_416 = arith.constant 240 : index
        %parallel_loop3A_417 = tpu.vector_load %arg6[%parallel_loop3A_415, %parallel_loop3A_416] {strides = array<i32>} : memref<64x256xi32, #tpu.memory_space<vmem>>, vector<1x16xi32>,
        %parallel_loop3A_418 = vector.shape_cast %parallel_loop3A_417 : vector<1x16xi32> to vector<16xi32>
        %parallel_loop3A_419 = arith.constant 16 : i32
        %parallel_loop3A_420 = vector.broadcast %parallel_loop3A_419 : i32 to vector<16xi32>
        %parallel_loop3A_421 = arith.shli %parallel_loop3A_418, %parallel_loop3A_420 : vector<16xi32>
        %parallel_loop3A_422 = tpu.bitcast %parallel_loop3A_421 : vector<16xi32> -> vector<16xf32>
        %parallel_loop3A_423 = arith.constant -65536 : i32
        %parallel_loop3A_424 = vector.broadcast %parallel_loop3A_423 : i32 to vector<16xi32>
        %parallel_loop3A_425 = arith.andi %parallel_loop3A_418, %parallel_loop3A_424 : vector<16xi32>
        %parallel_loop3A_426 = tpu.bitcast %parallel_loop3A_425 : vector<16xi32> -> vector<16xf32>
        %parallel_loop3A_427 = arith.index_cast %parallel_loop3A_84 : i32 to index
        %parallel_loop3A_428 = arith.constant 240 : index
        %parallel_loop3A_429 = tpu.vector_load %arg8[%parallel_loop3A_427, %parallel_loop3A_428] {strides = array<i32>} : memref<64x512xf32, #tpu.memory_space<vmem>>, vector<1x16xf32>,
        %parallel_loop3A_430 = vector.shape_cast %parallel_loop3A_429 : vector<1x16xf32> to vector<16xf32>
        %parallel_loop3A_431 = vector.shape_cast %parallel_loop3A_422 : vector<16xf32> to vector<1x16xf32>
        tpu.vector_store %arg8[%parallel_loop3A_427, %parallel_loop3A_428], %parallel_loop3A_431 {strides = array<i32>} : memref<64x512xf32, #tpu.memory_space<vmem>>, vector<1x16xf32>,
        %parallel_loop3A_432 = arith.index_cast %parallel_loop3A_84 : i32 to index
        %parallel_loop3A_433 = arith.constant 496 : index
        %parallel_loop3A_434 = tpu.vector_load %arg8[%parallel_loop3A_432, %parallel_loop3A_433] {strides = array<i32>} : memref<64x512xf32, #tpu.memory_space<vmem>>, vector<1x16xf32>,
        %parallel_loop3A_435 = vector.shape_cast %parallel_loop3A_434 : vector<1x16xf32> to vector<16xf32>
        %parallel_loop3A_436 = vector.shape_cast %parallel_loop3A_426 : vector<16xf32> to vector<1x16xf32>
        tpu.vector_store %arg8[%parallel_loop3A_432, %parallel_loop3A_433], %parallel_loop3A_436 {strides = array<i32>} : memref<64x512xf32, #tpu.memory_space<vmem>>, vector<1x16xf32>,
      } {sc.loop_unroll_factor = 2 : i64, sc.parallel_access}
      %mul3A_43 = arith.constant 64 : i32
      %mul3A_44 = arith.muli %add3A_32, %mul3A_43 : i32
      %add3A_45 = arith.addi %mul3A_2, %mul3A_44 : i32
      %dma_start3A_46 = arith.constant 0 : i32
      %dma_start3A_47 = tpu.memref_slice %arg4[%add3A_45, %dma_start3A_46] : memref<16384x512xf32, #tpu.memory_space<hbm>> -> memref<64x512xf32, #tpu.memory_space<hbm>>
      %dma_start3A_48 = arith.constant 0 : i32
      %dma_start3A_49 = tpu.memref_slice %arg4[%add3A_45, %dma_start3A_48] : memref<16384x512xf32, #tpu.memory_space<hbm>> -> memref<64x512xf32, #tpu.memory_space<hbm>>
      tpu.enqueue_dma source(%arg8 : memref<64x512xf32, #tpu.memory_space<vmem>>) target(%dma_start3A_49 : memref<64x512xf32, #tpu.memory_space<hbm>>) target_semaphore(%arg12 : memref<!tpu.dma_semaphore, #tpu.memory_space<semaphore_mem>>)
      %lt3A = arith.constant 3 : i32
      %lt3A_50 = arith.cmpi slt, %scan3A_28, %lt3A : i32
      %convert_element_type3A_51 = arith.extui %lt3A_50 : i1 to i32
      %cond3A_52 = arith.constant 0 : i32
      %cond3A_53 = arith.cmpi ne, %convert_element_type3A_51, %cond3A_52 : i32
      scf.if %cond3A_53 {
        %add3A_84 = arith.constant 2 : i32
        %add3A_85 = arith.addi %add3A_32, %add3A_84 : i32
        %mul3A_86 = arith.constant 64 : i32
        %mul3A_87 = arith.muli %add3A_85, %mul3A_86 : i32
        %dma_start3A_88 = tpu.memref_slice %arg5[%mul3A_87] : memref<512xi32, #tpu.memory_space<vmem>> -> memref<64xi32, #tpu.memory_space<vmem>>
        %dma_start3A_89 = arith.constant 0 : i32
        %dma_start3A_90 = arith.constant 0 : i32
        %dma_start3A_91 = tpu.memref_slice %arg2[%dma_start3A_89, %dma_start3A_90] : memref<1024x256xi32, #tpu.memory_space<hbm>> -> memref<1024x256xi32, #tpu.memory_space<hbm>>
        tpu.enqueue_indirect_dma source(%dma_start3A_91 : memref<1024x256xi32, #tpu.memory_space<hbm>>) target(%arg6 : memref<64x256xi32, #tpu.memory_space<vmem>>) offsets(%dma_start3A_88 : memref<64xi32, #tpu.memory_space<vmem>>) semaphore(%arg10 : memref<!tpu.dma_semaphore, #tpu.memory_space<semaphore_mem>>)
      } else {
      }
      %mul3A_54 = arith.constant 2 : i32
      %mul3A_55 = arith.muli %mul3A_54, %scan3A_28 : i32
      %add3A_56 = arith.constant 1 : i32
      %add3A_57 = arith.addi %mul3A_55, %add3A_56 : i32
      %mul3A_58 = arith.constant 64 : i32
      %mul3A_59 = arith.muli %add3A_57, %mul3A_58 : i32
      %dma_wait3A_60 = tpu.memref_slice %arg5[%mul3A_59] : memref<512xi32, #tpu.memory_space<vmem>> -> memref<64xi32, #tpu.memory_space<vmem>>
      %dma_wait3A_61 = arith.constant 0 : i32
      %dma_wait3A_62 = arith.constant 0 : i32
      %dma_wait3A_63 = tpu.memref_slice %arg2[%dma_wait3A_61, %dma_wait3A_62] : memref<1024x256xi32, #tpu.memory_space<hbm>> -> memref<1024x256xi32, #tpu.memory_space<hbm>>
      tpu.wait_indirect_dma semaphore(%arg11 : memref<!tpu.dma_semaphore, #tpu.memory_space<semaphore_mem>>) src(%dma_wait3A_63 : memref<1024x256xi32, #tpu.memory_space<hbm>>) dst(%arg7 : memref<64x256xi32, #tpu.memory_space<vmem>>)
      %gt3A_64 = arith.constant 0 : i32
      %gt3A_65 = arith.cmpi sgt, %scan3A_28, %gt3A_64 : i32
      %convert_element_type3A_66 = arith.extui %gt3A_65 : i1 to i32
      %cond3A_67 = arith.constant 0 : i32
      %cond3A_68 = arith.cmpi ne, %convert_element_type3A_66, %cond3A_67 : i32
      scf.if %cond3A_68 {
        %sub3A = arith.constant 2 : i32
        %sub3A_84 = arith.subi %add3A_57, %sub3A : i32
        %mul3A_85 = arith.constant 64 : i32
        %mul3A_86 = arith.muli %sub3A_84, %mul3A_85 : i32
        %add3A_87 = arith.addi %mul3A_2, %mul3A_86 : i32
        %dma_wait3A_88 = arith.constant 0 : i32
        %dma_wait3A_89 = tpu.memref_slice %arg4[%add3A_87, %dma_wait3A_88] : memref<16384x512xf32, #tpu.memory_space<hbm>> -> memref<64x512xf32, #tpu.memory_space<hbm>>
        %dma_wait3A_90 = arith.constant 0 : i32
        %dma_wait3A_91 = tpu.memref_slice %arg4[%add3A_87, %dma_wait3A_90] : memref<16384x512xf32, #tpu.memory_space<hbm>> -> memref<64x512xf32, #tpu.memory_space<hbm>>
        tpu.wait_dma2 semaphore(%arg13 : memref<!tpu.dma_semaphore, #tpu.memory_space<semaphore_mem>>) src(%arg9 : memref<64x512xf32, #tpu.memory_space<vmem>>) dst(%dma_wait3A_91 : memref<64x512xf32, #tpu.memory_space<hbm>>)
      } else {
      }
      %parallel_loop3A_69 = arith.constant 0 : i32
      %parallel_loop3A_70 = arith.constant 64 : i32
      %parallel_loop3A_71 = arith.constant 1 : i32
      scf.for %parallel_loop3A_84 = %parallel_loop3A_69 to %parallel_loop3A_70 step %parallel_loop3A_71  : i32 {
        %parallel_loop3A_85 = arith.index_cast %parallel_loop3A_84 : i32 to index
        %parallel_loop3A_86 = arith.constant 0 : index
        %parallel_loop3A_87 = tpu.vector_load %arg7[%parallel_loop3A_85, %parallel_loop3A_86] {strides = array<i32>} : memref<64x256xi32, #tpu.memory_space<vmem>>, vector<1x16xi32>,
        %parallel_loop3A_88 = vector.shape_cast %parallel_loop3A_87 : vector<1x16xi32> to vector<16xi32>
        %parallel_loop3A_89 = arith.constant 16 : i32
        %parallel_loop3A_90 = vector.broadcast %parallel_loop3A_89 : i32 to vector<16xi32>
        %parallel_loop3A_91 = arith.shli %parallel_loop3A_88, %parallel_loop3A_90 : vector<16xi32>
        %parallel_loop3A_92 = tpu.bitcast %parallel_loop3A_91 : vector<16xi32> -> vector<16xf32>
        %parallel_loop3A_93 = arith.constant -65536 : i32
        %parallel_loop3A_94 = vector.broadcast %parallel_loop3A_93 : i32 to vector<16xi32>
        %parallel_loop3A_95 = arith.andi %parallel_loop3A_88, %parallel_loop3A_94 : vector<16xi32>
        %parallel_loop3A_96 = tpu.bitcast %parallel_loop3A_95 : vector<16xi32> -> vector<16xf32>
        %parallel_loop3A_97 = arith.index_cast %parallel_loop3A_84 : i32 to index
        %parallel_loop3A_98 = arith.constant 0 : index
        %parallel_loop3A_99 = tpu.vector_load %arg9[%parallel_loop3A_97, %parallel_loop3A_98] {strides = array<i32>} : memref<64x512xf32, #tpu.memory_space<vmem>>, vector<1x16xf32>,
        %parallel_loop3A_100 = vector.shape_cast %parallel_loop3A_99 : vector<1x16xf32> to vector<16xf32>
        %parallel_loop3A_101 = vector.shape_cast %parallel_loop3A_92 : vector<16xf32> to vector<1x16xf32>
        tpu.vector_store %arg9[%parallel_loop3A_97, %parallel_loop3A_98], %parallel_loop3A_101 {strides = array<i32>} : memref<64x512xf32, #tpu.memory_space<vmem>>, vector<1x16xf32>,
        %parallel_loop3A_102 = arith.index_cast %parallel_loop3A_84 : i32 to index
        %parallel_loop3A_103 = arith.constant 256 : index
        %parallel_loop3A_104 = tpu.vector_load %arg9[%parallel_loop3A_102, %parallel_loop3A_103] {strides = array<i32>} : memref<64x512xf32, #tpu.memory_space<vmem>>, vector<1x16xf32>,
        %parallel_loop3A_105 = vector.shape_cast %parallel_loop3A_104 : vector<1x16xf32> to vector<16xf32>
        %parallel_loop3A_106 = vector.shape_cast %parallel_loop3A_96 : vector<16xf32> to vector<1x16xf32>
        tpu.vector_store %arg9[%parallel_loop3A_102, %parallel_loop3A_103], %parallel_loop3A_106 {strides = array<i32>} : memref<64x512xf32, #tpu.memory_space<vmem>>, vector<1x16xf32>,
        %parallel_loop3A_107 = arith.index_cast %parallel_loop3A_84 : i32 to index
        %parallel_loop3A_108 = arith.constant 16 : index
        %parallel_loop3A_109 = tpu.vector_load %arg7[%parallel_loop3A_107, %parallel_loop3A_108] {strides = array<i32>} : memref<64x256xi32, #tpu.memory_space<vmem>>, vector<1x16xi32>,
        %parallel_loop3A_110 = vector.shape_cast %parallel_loop3A_109 : vector<1x16xi32> to vector<16xi32>
        %parallel_loop3A_111 = arith.constant 16 : i32
        %parallel_loop3A_112 = vector.broadcast %parallel_loop3A_111 : i32 to vector<16xi32>
        %parallel_loop3A_113 = arith.shli %parallel_loop3A_110, %parallel_loop3A_112 : vector<16xi32>
        %parallel_loop3A_114 = tpu.bitcast %parallel_loop3A_113 : vector<16xi32> -> vector<16xf32>
        %parallel_loop3A_115 = arith.constant -65536 : i32
        %parallel_loop3A_116 = vector.broadcast %parallel_loop3A_115 : i32 to vector<16xi32>
        %parallel_loop3A_117 = arith.andi %parallel_loop3A_110, %parallel_loop3A_116 : vector<16xi32>
        %parallel_loop3A_118 = tpu.bitcast %parallel_loop3A_117 : vector<16xi32> -> vector<16xf32>
        %parallel_loop3A_119 = arith.index_cast %parallel_loop3A_84 : i32 to index
        %parallel_loop3A_120 = arith.constant 16 : index
        %parallel_loop3A_121 = tpu.vector_load %arg9[%parallel_loop3A_119, %parallel_loop3A_120] {strides = array<i32>} : memref<64x512xf32, #tpu.memory_space<vmem>>, vector<1x16xf32>,
        %parallel_loop3A_122 = vector.shape_cast %parallel_loop3A_121 : vector<1x16xf32> to vector<16xf32>
        %parallel_loop3A_123 = vector.shape_cast %parallel_loop3A_114 : vector<16xf32> to vector<1x16xf32>
        tpu.vector_store %arg9[%parallel_loop3A_119, %parallel_loop3A_120], %parallel_loop3A_123 {strides = array<i32>} : memref<64x512xf32, #tpu.memory_space<vmem>>, vector<1x16xf32>,
        %parallel_loop3A_124 = arith.index_cast %parallel_loop3A_84 : i32 to index
        %parallel_loop3A_125 = arith.constant 272 : index
        %parallel_loop3A_126 = tpu.vector_load %arg9[%parallel_loop3A_124, %parallel_loop3A_125] {strides = array<i32>} : memref<64x512xf32, #tpu.memory_space<vmem>>, vector<1x16xf32>,
        %parallel_loop3A_127 = vector.shape_cast %parallel_loop3A_126 : vector<1x16xf32> to vector<16xf32>
        %parallel_loop3A_128 = vector.shape_cast %parallel_loop3A_118 : vector<16xf32> to vector<1x16xf32>
        tpu.vector_store %arg9[%parallel_loop3A_124, %parallel_loop3A_125], %parallel_loop3A_128 {strides = array<i32>} : memref<64x512xf32, #tpu.memory_space<vmem>>, vector<1x16xf32>,
        %parallel_loop3A_129 = arith.index_cast %parallel_loop3A_84 : i32 to index
        %parallel_loop3A_130 = arith.constant 32 : index
        %parallel_loop3A_131 = tpu.vector_load %arg7[%parallel_loop3A_129, %parallel_loop3A_130] {strides = array<i32>} : memref<64x256xi32, #tpu.memory_space<vmem>>, vector<1x16xi32>,
        %parallel_loop3A_132 = vector.shape_cast %parallel_loop3A_131 : vector<1x16xi32> to vector<16xi32>
        %parallel_loop3A_133 = arith.constant 16 : i32
        %parallel_loop3A_134 = vector.broadcast %parallel_loop3A_133 : i32 to vector<16xi32>
        %parallel_loop3A_135 = arith.shli %parallel_loop3A_132, %parallel_loop3A_134 : vector<16xi32>
        %parallel_loop3A_136 = tpu.bitcast %parallel_loop3A_135 : vector<16xi32> -> vector<16xf32>
        %parallel_loop3A_137 = arith.constant -65536 : i32
        %parallel_loop3A_138 = vector.broadcast %parallel_loop3A_137 : i32 to vector<16xi32>
        %parallel_loop3A_139 = arith.andi %parallel_loop3A_132, %parallel_loop3A_138 : vector<16xi32>
        %parallel_loop3A_140 = tpu.bitcast %parallel_loop3A_139 : vector<16xi32> -> vector<16xf32>
        %parallel_loop3A_141 = arith.index_cast %parallel_loop3A_84 : i32 to index
        %parallel_loop3A_142 = arith.constant 32 : index
        %parallel_loop3A_143 = tpu.vector_load %arg9[%parallel_loop3A_141, %parallel_loop3A_142] {strides = array<i32>} : memref<64x512xf32, #tpu.memory_space<vmem>>, vector<1x16xf32>,
        %parallel_loop3A_144 = vector.shape_cast %parallel_loop3A_143 : vector<1x16xf32> to vector<16xf32>
        %parallel_loop3A_145 = vector.shape_cast %parallel_loop3A_136 : vector<16xf32> to vector<1x16xf32>
        tpu.vector_store %arg9[%parallel_loop3A_141, %parallel_loop3A_142], %parallel_loop3A_145 {strides = array<i32>} : memref<64x512xf32, #tpu.memory_space<vmem>>, vector<1x16xf32>,
        %parallel_loop3A_146 = arith.index_cast %parallel_loop3A_84 : i32 to index
        %parallel_loop3A_147 = arith.constant 288 : index
        %parallel_loop3A_148 = tpu.vector_load %arg9[%parallel_loop3A_146, %parallel_loop3A_147] {strides = array<i32>} : memref<64x512xf32, #tpu.memory_space<vmem>>, vector<1x16xf32>,
        %parallel_loop3A_149 = vector.shape_cast %parallel_loop3A_148 : vector<1x16xf32> to vector<16xf32>
        %parallel_loop3A_150 = vector.shape_cast %parallel_loop3A_140 : vector<16xf32> to vector<1x16xf32>
        tpu.vector_store %arg9[%parallel_loop3A_146, %parallel_loop3A_147], %parallel_loop3A_150 {strides = array<i32>} : memref<64x512xf32, #tpu.memory_space<vmem>>, vector<1x16xf32>,
        %parallel_loop3A_151 = arith.index_cast %parallel_loop3A_84 : i32 to index
        %parallel_loop3A_152 = arith.constant 48 : index
        %parallel_loop3A_153 = tpu.vector_load %arg7[%parallel_loop3A_151, %parallel_loop3A_152] {strides = array<i32>} : memref<64x256xi32, #tpu.memory_space<vmem>>, vector<1x16xi32>,
        %parallel_loop3A_154 = vector.shape_cast %parallel_loop3A_153 : vector<1x16xi32> to vector<16xi32>
        %parallel_loop3A_155 = arith.constant 16 : i32
        %parallel_loop3A_156 = vector.broadcast %parallel_loop3A_155 : i32 to vector<16xi32>
        %parallel_loop3A_157 = arith.shli %parallel_loop3A_154, %parallel_loop3A_156 : vector<16xi32>
        %parallel_loop3A_158 = tpu.bitcast %parallel_loop3A_157 : vector<16xi32> -> vector<16xf32>
        %parallel_loop3A_159 = arith.constant -65536 : i32
        %parallel_loop3A_160 = vector.broadcast %parallel_loop3A_159 : i32 to vector<16xi32>
        %parallel_loop3A_161 = arith.andi %parallel_loop3A_154, %parallel_loop3A_160 : vector<16xi32>
        %parallel_loop3A_162 = tpu.bitcast %parallel_loop3A_161 : vector<16xi32> -> vector<16xf32>
        %parallel_loop3A_163 = arith.index_cast %parallel_loop3A_84 : i32 to index
        %parallel_loop3A_164 = arith.constant 48 : index
        %parallel_loop3A_165 = tpu.vector_load %arg9[%parallel_loop3A_163, %parallel_loop3A_164] {strides = array<i32>} : memref<64x512xf32, #tpu.memory_space<vmem>>, vector<1x16xf32>,
        %parallel_loop3A_166 = vector.shape_cast %parallel_loop3A_165 : vector<1x16xf32> to vector<16xf32>
        %parallel_loop3A_167 = vector.shape_cast %parallel_loop3A_158 : vector<16xf32> to vector<1x16xf32>
        tpu.vector_store %arg9[%parallel_loop3A_163, %parallel_loop3A_164], %parallel_loop3A_167 {strides = array<i32>} : memref<64x512xf32, #tpu.memory_space<vmem>>, vector<1x16xf32>,
        %parallel_loop3A_168 = arith.index_cast %parallel_loop3A_84 : i32 to index
        %parallel_loop3A_169 = arith.constant 304 : index
        %parallel_loop3A_170 = tpu.vector_load %arg9[%parallel_loop3A_168, %parallel_loop3A_169] {strides = array<i32>} : memref<64x512xf32, #tpu.memory_space<vmem>>, vector<1x16xf32>,
        %parallel_loop3A_171 = vector.shape_cast %parallel_loop3A_170 : vector<1x16xf32> to vector<16xf32>
        %parallel_loop3A_172 = vector.shape_cast %parallel_loop3A_162 : vector<16xf32> to vector<1x16xf32>
        tpu.vector_store %arg9[%parallel_loop3A_168, %parallel_loop3A_169], %parallel_loop3A_172 {strides = array<i32>} : memref<64x512xf32, #tpu.memory_space<vmem>>, vector<1x16xf32>,
        %parallel_loop3A_173 = arith.index_cast %parallel_loop3A_84 : i32 to index
        %parallel_loop3A_174 = arith.constant 64 : index
        %parallel_loop3A_175 = tpu.vector_load %arg7[%parallel_loop3A_173, %parallel_loop3A_174] {strides = array<i32>} : memref<64x256xi32, #tpu.memory_space<vmem>>, vector<1x16xi32>,
        %parallel_loop3A_176 = vector.shape_cast %parallel_loop3A_175 : vector<1x16xi32> to vector<16xi32>
        %parallel_loop3A_177 = arith.constant 16 : i32
        %parallel_loop3A_178 = vector.broadcast %parallel_loop3A_177 : i32 to vector<16xi32>
        %parallel_loop3A_179 = arith.shli %parallel_loop3A_176, %parallel_loop3A_178 : vector<16xi32>
        %parallel_loop3A_180 = tpu.bitcast %parallel_loop3A_179 : vector<16xi32> -> vector<16xf32>
        %parallel_loop3A_181 = arith.constant -65536 : i32
        %parallel_loop3A_182 = vector.broadcast %parallel_loop3A_181 : i32 to vector<16xi32>
        %parallel_loop3A_183 = arith.andi %parallel_loop3A_176, %parallel_loop3A_182 : vector<16xi32>
        %parallel_loop3A_184 = tpu.bitcast %parallel_loop3A_183 : vector<16xi32> -> vector<16xf32>
        %parallel_loop3A_185 = arith.index_cast %parallel_loop3A_84 : i32 to index
        %parallel_loop3A_186 = arith.constant 64 : index
        %parallel_loop3A_187 = tpu.vector_load %arg9[%parallel_loop3A_185, %parallel_loop3A_186] {strides = array<i32>} : memref<64x512xf32, #tpu.memory_space<vmem>>, vector<1x16xf32>,
        %parallel_loop3A_188 = vector.shape_cast %parallel_loop3A_187 : vector<1x16xf32> to vector<16xf32>
        %parallel_loop3A_189 = vector.shape_cast %parallel_loop3A_180 : vector<16xf32> to vector<1x16xf32>
        tpu.vector_store %arg9[%parallel_loop3A_185, %parallel_loop3A_186], %parallel_loop3A_189 {strides = array<i32>} : memref<64x512xf32, #tpu.memory_space<vmem>>, vector<1x16xf32>,
        %parallel_loop3A_190 = arith.index_cast %parallel_loop3A_84 : i32 to index
        %parallel_loop3A_191 = arith.constant 320 : index
        %parallel_loop3A_192 = tpu.vector_load %arg9[%parallel_loop3A_190, %parallel_loop3A_191] {strides = array<i32>} : memref<64x512xf32, #tpu.memory_space<vmem>>, vector<1x16xf32>,
        %parallel_loop3A_193 = vector.shape_cast %parallel_loop3A_192 : vector<1x16xf32> to vector<16xf32>
        %parallel_loop3A_194 = vector.shape_cast %parallel_loop3A_184 : vector<16xf32> to vector<1x16xf32>
        tpu.vector_store %arg9[%parallel_loop3A_190, %parallel_loop3A_191], %parallel_loop3A_194 {strides = array<i32>} : memref<64x512xf32, #tpu.memory_space<vmem>>, vector<1x16xf32>,
        %parallel_loop3A_195 = arith.index_cast %parallel_loop3A_84 : i32 to index
        %parallel_loop3A_196 = arith.constant 80 : index
        %parallel_loop3A_197 = tpu.vector_load %arg7[%parallel_loop3A_195, %parallel_loop3A_196] {strides = array<i32>} : memref<64x256xi32, #tpu.memory_space<vmem>>, vector<1x16xi32>,
        %parallel_loop3A_198 = vector.shape_cast %parallel_loop3A_197 : vector<1x16xi32> to vector<16xi32>
        %parallel_loop3A_199 = arith.constant 16 : i32
        %parallel_loop3A_200 = vector.broadcast %parallel_loop3A_199 : i32 to vector<16xi32>
        %parallel_loop3A_201 = arith.shli %parallel_loop3A_198, %parallel_loop3A_200 : vector<16xi32>
        %parallel_loop3A_202 = tpu.bitcast %parallel_loop3A_201 : vector<16xi32> -> vector<16xf32>
        %parallel_loop3A_203 = arith.constant -65536 : i32
        %parallel_loop3A_204 = vector.broadcast %parallel_loop3A_203 : i32 to vector<16xi32>
        %parallel_loop3A_205 = arith.andi %parallel_loop3A_198, %parallel_loop3A_204 : vector<16xi32>
        %parallel_loop3A_206 = tpu.bitcast %parallel_loop3A_205 : vector<16xi32> -> vector<16xf32>
        %parallel_loop3A_207 = arith.index_cast %parallel_loop3A_84 : i32 to index
        %parallel_loop3A_208 = arith.constant 80 : index
        %parallel_loop3A_209 = tpu.vector_load %arg9[%parallel_loop3A_207, %parallel_loop3A_208] {strides = array<i32>} : memref<64x512xf32, #tpu.memory_space<vmem>>, vector<1x16xf32>,
        %parallel_loop3A_210 = vector.shape_cast %parallel_loop3A_209 : vector<1x16xf32> to vector<16xf32>
        %parallel_loop3A_211 = vector.shape_cast %parallel_loop3A_202 : vector<16xf32> to vector<1x16xf32>
        tpu.vector_store %arg9[%parallel_loop3A_207, %parallel_loop3A_208], %parallel_loop3A_211 {strides = array<i32>} : memref<64x512xf32, #tpu.memory_space<vmem>>, vector<1x16xf32>,
        %parallel_loop3A_212 = arith.index_cast %parallel_loop3A_84 : i32 to index
        %parallel_loop3A_213 = arith.constant 336 : index
        %parallel_loop3A_214 = tpu.vector_load %arg9[%parallel_loop3A_212, %parallel_loop3A_213] {strides = array<i32>} : memref<64x512xf32, #tpu.memory_space<vmem>>, vector<1x16xf32>,
        %parallel_loop3A_215 = vector.shape_cast %parallel_loop3A_214 : vector<1x16xf32> to vector<16xf32>
        %parallel_loop3A_216 = vector.shape_cast %parallel_loop3A_206 : vector<16xf32> to vector<1x16xf32>
        tpu.vector_store %arg9[%parallel_loop3A_212, %parallel_loop3A_213], %parallel_loop3A_216 {strides = array<i32>} : memref<64x512xf32, #tpu.memory_space<vmem>>, vector<1x16xf32>,
        %parallel_loop3A_217 = arith.index_cast %parallel_loop3A_84 : i32 to index
        %parallel_loop3A_218 = arith.constant 96 : index
        %parallel_loop3A_219 = tpu.vector_load %arg7[%parallel_loop3A_217, %parallel_loop3A_218] {strides = array<i32>} : memref<64x256xi32, #tpu.memory_space<vmem>>, vector<1x16xi32>,
        %parallel_loop3A_220 = vector.shape_cast %parallel_loop3A_219 : vector<1x16xi32> to vector<16xi32>
        %parallel_loop3A_221 = arith.constant 16 : i32
        %parallel_loop3A_222 = vector.broadcast %parallel_loop3A_221 : i32 to vector<16xi32>
        %parallel_loop3A_223 = arith.shli %parallel_loop3A_220, %parallel_loop3A_222 : vector<16xi32>
        %parallel_loop3A_224 = tpu.bitcast %parallel_loop3A_223 : vector<16xi32> -> vector<16xf32>
        %parallel_loop3A_225 = arith.constant -65536 : i32
        %parallel_loop3A_226 = vector.broadcast %parallel_loop3A_225 : i32 to vector<16xi32>
        %parallel_loop3A_227 = arith.andi %parallel_loop3A_220, %parallel_loop3A_226 : vector<16xi32>
        %parallel_loop3A_228 = tpu.bitcast %parallel_loop3A_227 : vector<16xi32> -> vector<16xf32>
        %parallel_loop3A_229 = arith.index_cast %parallel_loop3A_84 : i32 to index
        %parallel_loop3A_230 = arith.constant 96 : index
        %parallel_loop3A_231 = tpu.vector_load %arg9[%parallel_loop3A_229, %parallel_loop3A_230] {strides = array<i32>} : memref<64x512xf32, #tpu.memory_space<vmem>>, vector<1x16xf32>,
        %parallel_loop3A_232 = vector.shape_cast %parallel_loop3A_231 : vector<1x16xf32> to vector<16xf32>
        %parallel_loop3A_233 = vector.shape_cast %parallel_loop3A_224 : vector<16xf32> to vector<1x16xf32>
        tpu.vector_store %arg9[%parallel_loop3A_229, %parallel_loop3A_230], %parallel_loop3A_233 {strides = array<i32>} : memref<64x512xf32, #tpu.memory_space<vmem>>, vector<1x16xf32>,
        %parallel_loop3A_234 = arith.index_cast %parallel_loop3A_84 : i32 to index
        %parallel_loop3A_235 = arith.constant 352 : index
        %parallel_loop3A_236 = tpu.vector_load %arg9[%parallel_loop3A_234, %parallel_loop3A_235] {strides = array<i32>} : memref<64x512xf32, #tpu.memory_space<vmem>>, vector<1x16xf32>,
        %parallel_loop3A_237 = vector.shape_cast %parallel_loop3A_236 : vector<1x16xf32> to vector<16xf32>
        %parallel_loop3A_238 = vector.shape_cast %parallel_loop3A_228 : vector<16xf32> to vector<1x16xf32>
        tpu.vector_store %arg9[%parallel_loop3A_234, %parallel_loop3A_235], %parallel_loop3A_238 {strides = array<i32>} : memref<64x512xf32, #tpu.memory_space<vmem>>, vector<1x16xf32>,
        %parallel_loop3A_239 = arith.index_cast %parallel_loop3A_84 : i32 to index
        %parallel_loop3A_240 = arith.constant 112 : index
        %parallel_loop3A_241 = tpu.vector_load %arg7[%parallel_loop3A_239, %parallel_loop3A_240] {strides = array<i32>} : memref<64x256xi32, #tpu.memory_space<vmem>>, vector<1x16xi32>,
        %parallel_loop3A_242 = vector.shape_cast %parallel_loop3A_241 : vector<1x16xi32> to vector<16xi32>
        %parallel_loop3A_243 = arith.constant 16 : i32
        %parallel_loop3A_244 = vector.broadcast %parallel_loop3A_243 : i32 to vector<16xi32>
        %parallel_loop3A_245 = arith.shli %parallel_loop3A_242, %parallel_loop3A_244 : vector<16xi32>
        %parallel_loop3A_246 = tpu.bitcast %parallel_loop3A_245 : vector<16xi32> -> vector<16xf32>
        %parallel_loop3A_247 = arith.constant -65536 : i32
        %parallel_loop3A_248 = vector.broadcast %parallel_loop3A_247 : i32 to vector<16xi32>
        %parallel_loop3A_249 = arith.andi %parallel_loop3A_242, %parallel_loop3A_248 : vector<16xi32>
        %parallel_loop3A_250 = tpu.bitcast %parallel_loop3A_249 : vector<16xi32> -> vector<16xf32>
        %parallel_loop3A_251 = arith.index_cast %parallel_loop3A_84 : i32 to index
        %parallel_loop3A_252 = arith.constant 112 : index
        %parallel_loop3A_253 = tpu.vector_load %arg9[%parallel_loop3A_251, %parallel_loop3A_252] {strides = array<i32>} : memref<64x512xf32, #tpu.memory_space<vmem>>, vector<1x16xf32>,
        %parallel_loop3A_254 = vector.shape_cast %parallel_loop3A_253 : vector<1x16xf32> to vector<16xf32>
        %parallel_loop3A_255 = vector.shape_cast %parallel_loop3A_246 : vector<16xf32> to vector<1x16xf32>
        tpu.vector_store %arg9[%parallel_loop3A_251, %parallel_loop3A_252], %parallel_loop3A_255 {strides = array<i32>} : memref<64x512xf32, #tpu.memory_space<vmem>>, vector<1x16xf32>,
        %parallel_loop3A_256 = arith.index_cast %parallel_loop3A_84 : i32 to index
        %parallel_loop3A_257 = arith.constant 368 : index
        %parallel_loop3A_258 = tpu.vector_load %arg9[%parallel_loop3A_256, %parallel_loop3A_257] {strides = array<i32>} : memref<64x512xf32, #tpu.memory_space<vmem>>, vector<1x16xf32>,
        %parallel_loop3A_259 = vector.shape_cast %parallel_loop3A_258 : vector<1x16xf32> to vector<16xf32>
        %parallel_loop3A_260 = vector.shape_cast %parallel_loop3A_250 : vector<16xf32> to vector<1x16xf32>
        tpu.vector_store %arg9[%parallel_loop3A_256, %parallel_loop3A_257], %parallel_loop3A_260 {strides = array<i32>} : memref<64x512xf32, #tpu.memory_space<vmem>>, vector<1x16xf32>,
        %parallel_loop3A_261 = arith.index_cast %parallel_loop3A_84 : i32 to index
        %parallel_loop3A_262 = arith.constant 128 : index
        %parallel_loop3A_263 = tpu.vector_load %arg7[%parallel_loop3A_261, %parallel_loop3A_262] {strides = array<i32>} : memref<64x256xi32, #tpu.memory_space<vmem>>, vector<1x16xi32>,
        %parallel_loop3A_264 = vector.shape_cast %parallel_loop3A_263 : vector<1x16xi32> to vector<16xi32>
        %parallel_loop3A_265 = arith.constant 16 : i32
        %parallel_loop3A_266 = vector.broadcast %parallel_loop3A_265 : i32 to vector<16xi32>
        %parallel_loop3A_267 = arith.shli %parallel_loop3A_264, %parallel_loop3A_266 : vector<16xi32>
        %parallel_loop3A_268 = tpu.bitcast %parallel_loop3A_267 : vector<16xi32> -> vector<16xf32>
        %parallel_loop3A_269 = arith.constant -65536 : i32
        %parallel_loop3A_270 = vector.broadcast %parallel_loop3A_269 : i32 to vector<16xi32>
        %parallel_loop3A_271 = arith.andi %parallel_loop3A_264, %parallel_loop3A_270 : vector<16xi32>
        %parallel_loop3A_272 = tpu.bitcast %parallel_loop3A_271 : vector<16xi32> -> vector<16xf32>
        %parallel_loop3A_273 = arith.index_cast %parallel_loop3A_84 : i32 to index
        %parallel_loop3A_274 = arith.constant 128 : index
        %parallel_loop3A_275 = tpu.vector_load %arg9[%parallel_loop3A_273, %parallel_loop3A_274] {strides = array<i32>} : memref<64x512xf32, #tpu.memory_space<vmem>>, vector<1x16xf32>,
        %parallel_loop3A_276 = vector.shape_cast %parallel_loop3A_275 : vector<1x16xf32> to vector<16xf32>
        %parallel_loop3A_277 = vector.shape_cast %parallel_loop3A_268 : vector<16xf32> to vector<1x16xf32>
        tpu.vector_store %arg9[%parallel_loop3A_273, %parallel_loop3A_274], %parallel_loop3A_277 {strides = array<i32>} : memref<64x512xf32, #tpu.memory_space<vmem>>, vector<1x16xf32>,
        %parallel_loop3A_278 = arith.index_cast %parallel_loop3A_84 : i32 to index
        %parallel_loop3A_279 = arith.constant 384 : index
        %parallel_loop3A_280 = tpu.vector_load %arg9[%parallel_loop3A_278, %parallel_loop3A_279] {strides = array<i32>} : memref<64x512xf32, #tpu.memory_space<vmem>>, vector<1x16xf32>,
        %parallel_loop3A_281 = vector.shape_cast %parallel_loop3A_280 : vector<1x16xf32> to vector<16xf32>
        %parallel_loop3A_282 = vector.shape_cast %parallel_loop3A_272 : vector<16xf32> to vector<1x16xf32>
        tpu.vector_store %arg9[%parallel_loop3A_278, %parallel_loop3A_279], %parallel_loop3A_282 {strides = array<i32>} : memref<64x512xf32, #tpu.memory_space<vmem>>, vector<1x16xf32>,
        %parallel_loop3A_283 = arith.index_cast %parallel_loop3A_84 : i32 to index
        %parallel_loop3A_284 = arith.constant 144 : index
        %parallel_loop3A_285 = tpu.vector_load %arg7[%parallel_loop3A_283, %parallel_loop3A_284] {strides = array<i32>} : memref<64x256xi32, #tpu.memory_space<vmem>>, vector<1x16xi32>,
        %parallel_loop3A_286 = vector.shape_cast %parallel_loop3A_285 : vector<1x16xi32> to vector<16xi32>
        %parallel_loop3A_287 = arith.constant 16 : i32
        %parallel_loop3A_288 = vector.broadcast %parallel_loop3A_287 : i32 to vector<16xi32>
        %parallel_loop3A_289 = arith.shli %parallel_loop3A_286, %parallel_loop3A_288 : vector<16xi32>
        %parallel_loop3A_290 = tpu.bitcast %parallel_loop3A_289 : vector<16xi32> -> vector<16xf32>
        %parallel_loop3A_291 = arith.constant -65536 : i32
        %parallel_loop3A_292 = vector.broadcast %parallel_loop3A_291 : i32 to vector<16xi32>
        %parallel_loop3A_293 = arith.andi %parallel_loop3A_286, %parallel_loop3A_292 : vector<16xi32>
        %parallel_loop3A_294 = tpu.bitcast %parallel_loop3A_293 : vector<16xi32> -> vector<16xf32>
        %parallel_loop3A_295 = arith.index_cast %parallel_loop3A_84 : i32 to index
        %parallel_loop3A_296 = arith.constant 144 : index
        %parallel_loop3A_297 = tpu.vector_load %arg9[%parallel_loop3A_295, %parallel_loop3A_296] {strides = array<i32>} : memref<64x512xf32, #tpu.memory_space<vmem>>, vector<1x16xf32>,
        %parallel_loop3A_298 = vector.shape_cast %parallel_loop3A_297 : vector<1x16xf32> to vector<16xf32>
        %parallel_loop3A_299 = vector.shape_cast %parallel_loop3A_290 : vector<16xf32> to vector<1x16xf32>
        tpu.vector_store %arg9[%parallel_loop3A_295, %parallel_loop3A_296], %parallel_loop3A_299 {strides = array<i32>} : memref<64x512xf32, #tpu.memory_space<vmem>>, vector<1x16xf32>,
        %parallel_loop3A_300 = arith.index_cast %parallel_loop3A_84 : i32 to index
        %parallel_loop3A_301 = arith.constant 400 : index
        %parallel_loop3A_302 = tpu.vector_load %arg9[%parallel_loop3A_300, %parallel_loop3A_301] {strides = array<i32>} : memref<64x512xf32, #tpu.memory_space<vmem>>, vector<1x16xf32>,
        %parallel_loop3A_303 = vector.shape_cast %parallel_loop3A_302 : vector<1x16xf32> to vector<16xf32>
        %parallel_loop3A_304 = vector.shape_cast %parallel_loop3A_294 : vector<16xf32> to vector<1x16xf32>
        tpu.vector_store %arg9[%parallel_loop3A_300, %parallel_loop3A_301], %parallel_loop3A_304 {strides = array<i32>} : memref<64x512xf32, #tpu.memory_space<vmem>>, vector<1x16xf32>,
        %parallel_loop3A_305 = arith.index_cast %parallel_loop3A_84 : i32 to index
        %parallel_loop3A_306 = arith.constant 160 : index
        %parallel_loop3A_307 = tpu.vector_load %arg7[%parallel_loop3A_305, %parallel_loop3A_306] {strides = array<i32>} : memref<64x256xi32, #tpu.memory_space<vmem>>, vector<1x16xi32>,
        %parallel_loop3A_308 = vector.shape_cast %parallel_loop3A_307 : vector<1x16xi32> to vector<16xi32>
        %parallel_loop3A_309 = arith.constant 16 : i32
        %parallel_loop3A_310 = vector.broadcast %parallel_loop3A_309 : i32 to vector<16xi32>
        %parallel_loop3A_311 = arith.shli %parallel_loop3A_308, %parallel_loop3A_310 : vector<16xi32>
        %parallel_loop3A_312 = tpu.bitcast %parallel_loop3A_311 : vector<16xi32> -> vector<16xf32>
        %parallel_loop3A_313 = arith.constant -65536 : i32
        %parallel_loop3A_314 = vector.broadcast %parallel_loop3A_313 : i32 to vector<16xi32>
        %parallel_loop3A_315 = arith.andi %parallel_loop3A_308, %parallel_loop3A_314 : vector<16xi32>
        %parallel_loop3A_316 = tpu.bitcast %parallel_loop3A_315 : vector<16xi32> -> vector<16xf32>
        %parallel_loop3A_317 = arith.index_cast %parallel_loop3A_84 : i32 to index
        %parallel_loop3A_318 = arith.constant 160 : index
        %parallel_loop3A_319 = tpu.vector_load %arg9[%parallel_loop3A_317, %parallel_loop3A_318] {strides = array<i32>} : memref<64x512xf32, #tpu.memory_space<vmem>>, vector<1x16xf32>,
        %parallel_loop3A_320 = vector.shape_cast %parallel_loop3A_319 : vector<1x16xf32> to vector<16xf32>
        %parallel_loop3A_321 = vector.shape_cast %parallel_loop3A_312 : vector<16xf32> to vector<1x16xf32>
        tpu.vector_store %arg9[%parallel_loop3A_317, %parallel_loop3A_318], %parallel_loop3A_321 {strides = array<i32>} : memref<64x512xf32, #tpu.memory_space<vmem>>, vector<1x16xf32>,
        %parallel_loop3A_322 = arith.index_cast %parallel_loop3A_84 : i32 to index
        %parallel_loop3A_323 = arith.constant 416 : index
        %parallel_loop3A_324 = tpu.vector_load %arg9[%parallel_loop3A_322, %parallel_loop3A_323] {strides = array<i32>} : memref<64x512xf32, #tpu.memory_space<vmem>>, vector<1x16xf32>,
        %parallel_loop3A_325 = vector.shape_cast %parallel_loop3A_324 : vector<1x16xf32> to vector<16xf32>
        %parallel_loop3A_326 = vector.shape_cast %parallel_loop3A_316 : vector<16xf32> to vector<1x16xf32>
        tpu.vector_store %arg9[%parallel_loop3A_322, %parallel_loop3A_323], %parallel_loop3A_326 {strides = array<i32>} : memref<64x512xf32, #tpu.memory_space<vmem>>, vector<1x16xf32>,
        %parallel_loop3A_327 = arith.index_cast %parallel_loop3A_84 : i32 to index
        %parallel_loop3A_328 = arith.constant 176 : index
        %parallel_loop3A_329 = tpu.vector_load %arg7[%parallel_loop3A_327, %parallel_loop3A_328] {strides = array<i32>} : memref<64x256xi32, #tpu.memory_space<vmem>>, vector<1x16xi32>,
        %parallel_loop3A_330 = vector.shape_cast %parallel_loop3A_329 : vector<1x16xi32> to vector<16xi32>
        %parallel_loop3A_331 = arith.constant 16 : i32
        %parallel_loop3A_332 = vector.broadcast %parallel_loop3A_331 : i32 to vector<16xi32>
        %parallel_loop3A_333 = arith.shli %parallel_loop3A_330, %parallel_loop3A_332 : vector<16xi32>
        %parallel_loop3A_334 = tpu.bitcast %parallel_loop3A_333 : vector<16xi32> -> vector<16xf32>
        %parallel_loop3A_335 = arith.constant -65536 : i32
        %parallel_loop3A_336 = vector.broadcast %parallel_loop3A_335 : i32 to vector<16xi32>
        %parallel_loop3A_337 = arith.andi %parallel_loop3A_330, %parallel_loop3A_336 : vector<16xi32>
        %parallel_loop3A_338 = tpu.bitcast %parallel_loop3A_337 : vector<16xi32> -> vector<16xf32>
        %parallel_loop3A_339 = arith.index_cast %parallel_loop3A_84 : i32 to index
        %parallel_loop3A_340 = arith.constant 176 : index
        %parallel_loop3A_341 = tpu.vector_load %arg9[%parallel_loop3A_339, %parallel_loop3A_340] {strides = array<i32>} : memref<64x512xf32, #tpu.memory_space<vmem>>, vector<1x16xf32>,
        %parallel_loop3A_342 = vector.shape_cast %parallel_loop3A_341 : vector<1x16xf32> to vector<16xf32>
        %parallel_loop3A_343 = vector.shape_cast %parallel_loop3A_334 : vector<16xf32> to vector<1x16xf32>
        tpu.vector_store %arg9[%parallel_loop3A_339, %parallel_loop3A_340], %parallel_loop3A_343 {strides = array<i32>} : memref<64x512xf32, #tpu.memory_space<vmem>>, vector<1x16xf32>,
        %parallel_loop3A_344 = arith.index_cast %parallel_loop3A_84 : i32 to index
        %parallel_loop3A_345 = arith.constant 432 : index
        %parallel_loop3A_346 = tpu.vector_load %arg9[%parallel_loop3A_344, %parallel_loop3A_345] {strides = array<i32>} : memref<64x512xf32, #tpu.memory_space<vmem>>, vector<1x16xf32>,
        %parallel_loop3A_347 = vector.shape_cast %parallel_loop3A_346 : vector<1x16xf32> to vector<16xf32>
        %parallel_loop3A_348 = vector.shape_cast %parallel_loop3A_338 : vector<16xf32> to vector<1x16xf32>
        tpu.vector_store %arg9[%parallel_loop3A_344, %parallel_loop3A_345], %parallel_loop3A_348 {strides = array<i32>} : memref<64x512xf32, #tpu.memory_space<vmem>>, vector<1x16xf32>,
        %parallel_loop3A_349 = arith.index_cast %parallel_loop3A_84 : i32 to index
        %parallel_loop3A_350 = arith.constant 192 : index
        %parallel_loop3A_351 = tpu.vector_load %arg7[%parallel_loop3A_349, %parallel_loop3A_350] {strides = array<i32>} : memref<64x256xi32, #tpu.memory_space<vmem>>, vector<1x16xi32>,
        %parallel_loop3A_352 = vector.shape_cast %parallel_loop3A_351 : vector<1x16xi32> to vector<16xi32>
        %parallel_loop3A_353 = arith.constant 16 : i32
        %parallel_loop3A_354 = vector.broadcast %parallel_loop3A_353 : i32 to vector<16xi32>
        %parallel_loop3A_355 = arith.shli %parallel_loop3A_352, %parallel_loop3A_354 : vector<16xi32>
        %parallel_loop3A_356 = tpu.bitcast %parallel_loop3A_355 : vector<16xi32> -> vector<16xf32>
        %parallel_loop3A_357 = arith.constant -65536 : i32
        %parallel_loop3A_358 = vector.broadcast %parallel_loop3A_357 : i32 to vector<16xi32>
        %parallel_loop3A_359 = arith.andi %parallel_loop3A_352, %parallel_loop3A_358 : vector<16xi32>
        %parallel_loop3A_360 = tpu.bitcast %parallel_loop3A_359 : vector<16xi32> -> vector<16xf32>
        %parallel_loop3A_361 = arith.index_cast %parallel_loop3A_84 : i32 to index
        %parallel_loop3A_362 = arith.constant 192 : index
        %parallel_loop3A_363 = tpu.vector_load %arg9[%parallel_loop3A_361, %parallel_loop3A_362] {strides = array<i32>} : memref<64x512xf32, #tpu.memory_space<vmem>>, vector<1x16xf32>,
        %parallel_loop3A_364 = vector.shape_cast %parallel_loop3A_363 : vector<1x16xf32> to vector<16xf32>
        %parallel_loop3A_365 = vector.shape_cast %parallel_loop3A_356 : vector<16xf32> to vector<1x16xf32>
        tpu.vector_store %arg9[%parallel_loop3A_361, %parallel_loop3A_362], %parallel_loop3A_365 {strides = array<i32>} : memref<64x512xf32, #tpu.memory_space<vmem>>, vector<1x16xf32>,
        %parallel_loop3A_366 = arith.index_cast %parallel_loop3A_84 : i32 to index
        %parallel_loop3A_367 = arith.constant 448 : index
        %parallel_loop3A_368 = tpu.vector_load %arg9[%parallel_loop3A_366, %parallel_loop3A_367] {strides = array<i32>} : memref<64x512xf32, #tpu.memory_space<vmem>>, vector<1x16xf32>,
        %parallel_loop3A_369 = vector.shape_cast %parallel_loop3A_368 : vector<1x16xf32> to vector<16xf32>
        %parallel_loop3A_370 = vector.shape_cast %parallel_loop3A_360 : vector<16xf32> to vector<1x16xf32>
        tpu.vector_store %arg9[%parallel_loop3A_366, %parallel_loop3A_367], %parallel_loop3A_370 {strides = array<i32>} : memref<64x512xf32, #tpu.memory_space<vmem>>, vector<1x16xf32>,
        %parallel_loop3A_371 = arith.index_cast %parallel_loop3A_84 : i32 to index
        %parallel_loop3A_372 = arith.constant 208 : index
        %parallel_loop3A_373 = tpu.vector_load %arg7[%parallel_loop3A_371, %parallel_loop3A_372] {strides = array<i32>} : memref<64x256xi32, #tpu.memory_space<vmem>>, vector<1x16xi32>,
        %parallel_loop3A_374 = vector.shape_cast %parallel_loop3A_373 : vector<1x16xi32> to vector<16xi32>
        %parallel_loop3A_375 = arith.constant 16 : i32
        %parallel_loop3A_376 = vector.broadcast %parallel_loop3A_375 : i32 to vector<16xi32>
        %parallel_loop3A_377 = arith.shli %parallel_loop3A_374, %parallel_loop3A_376 : vector<16xi32>
        %parallel_loop3A_378 = tpu.bitcast %parallel_loop3A_377 : vector<16xi32> -> vector<16xf32>
        %parallel_loop3A_379 = arith.constant -65536 : i32
        %parallel_loop3A_380 = vector.broadcast %parallel_loop3A_379 : i32 to vector<16xi32>
        %parallel_loop3A_381 = arith.andi %parallel_loop3A_374, %parallel_loop3A_380 : vector<16xi32>
        %parallel_loop3A_382 = tpu.bitcast %parallel_loop3A_381 : vector<16xi32> -> vector<16xf32>
        %parallel_loop3A_383 = arith.index_cast %parallel_loop3A_84 : i32 to index
        %parallel_loop3A_384 = arith.constant 208 : index
        %parallel_loop3A_385 = tpu.vector_load %arg9[%parallel_loop3A_383, %parallel_loop3A_384] {strides = array<i32>} : memref<64x512xf32, #tpu.memory_space<vmem>>, vector<1x16xf32>,
        %parallel_loop3A_386 = vector.shape_cast %parallel_loop3A_385 : vector<1x16xf32> to vector<16xf32>
        %parallel_loop3A_387 = vector.shape_cast %parallel_loop3A_378 : vector<16xf32> to vector<1x16xf32>
        tpu.vector_store %arg9[%parallel_loop3A_383, %parallel_loop3A_384], %parallel_loop3A_387 {strides = array<i32>} : memref<64x512xf32, #tpu.memory_space<vmem>>, vector<1x16xf32>,
        %parallel_loop3A_388 = arith.index_cast %parallel_loop3A_84 : i32 to index
        %parallel_loop3A_389 = arith.constant 464 : index
        %parallel_loop3A_390 = tpu.vector_load %arg9[%parallel_loop3A_388, %parallel_loop3A_389] {strides = array<i32>} : memref<64x512xf32, #tpu.memory_space<vmem>>, vector<1x16xf32>,
        %parallel_loop3A_391 = vector.shape_cast %parallel_loop3A_390 : vector<1x16xf32> to vector<16xf32>
        %parallel_loop3A_392 = vector.shape_cast %parallel_loop3A_382 : vector<16xf32> to vector<1x16xf32>
        tpu.vector_store %arg9[%parallel_loop3A_388, %parallel_loop3A_389], %parallel_loop3A_392 {strides = array<i32>} : memref<64x512xf32, #tpu.memory_space<vmem>>, vector<1x16xf32>,
        %parallel_loop3A_393 = arith.index_cast %parallel_loop3A_84 : i32 to index
        %parallel_loop3A_394 = arith.constant 224 : index
        %parallel_loop3A_395 = tpu.vector_load %arg7[%parallel_loop3A_393, %parallel_loop3A_394] {strides = array<i32>} : memref<64x256xi32, #tpu.memory_space<vmem>>, vector<1x16xi32>,
        %parallel_loop3A_396 = vector.shape_cast %parallel_loop3A_395 : vector<1x16xi32> to vector<16xi32>
        %parallel_loop3A_397 = arith.constant 16 : i32
        %parallel_loop3A_398 = vector.broadcast %parallel_loop3A_397 : i32 to vector<16xi32>
        %parallel_loop3A_399 = arith.shli %parallel_loop3A_396, %parallel_loop3A_398 : vector<16xi32>
        %parallel_loop3A_400 = tpu.bitcast %parallel_loop3A_399 : vector<16xi32> -> vector<16xf32>
        %parallel_loop3A_401 = arith.constant -65536 : i32
        %parallel_loop3A_402 = vector.broadcast %parallel_loop3A_401 : i32 to vector<16xi32>
        %parallel_loop3A_403 = arith.andi %parallel_loop3A_396, %parallel_loop3A_402 : vector<16xi32>
        %parallel_loop3A_404 = tpu.bitcast %parallel_loop3A_403 : vector<16xi32> -> vector<16xf32>
        %parallel_loop3A_405 = arith.index_cast %parallel_loop3A_84 : i32 to index
        %parallel_loop3A_406 = arith.constant 224 : index
        %parallel_loop3A_407 = tpu.vector_load %arg9[%parallel_loop3A_405, %parallel_loop3A_406] {strides = array<i32>} : memref<64x512xf32, #tpu.memory_space<vmem>>, vector<1x16xf32>,
        %parallel_loop3A_408 = vector.shape_cast %parallel_loop3A_407 : vector<1x16xf32> to vector<16xf32>
        %parallel_loop3A_409 = vector.shape_cast %parallel_loop3A_400 : vector<16xf32> to vector<1x16xf32>
        tpu.vector_store %arg9[%parallel_loop3A_405, %parallel_loop3A_406], %parallel_loop3A_409 {strides = array<i32>} : memref<64x512xf32, #tpu.memory_space<vmem>>, vector<1x16xf32>,
        %parallel_loop3A_410 = arith.index_cast %parallel_loop3A_84 : i32 to index
        %parallel_loop3A_411 = arith.constant 480 : index
        %parallel_loop3A_412 = tpu.vector_load %arg9[%parallel_loop3A_410, %parallel_loop3A_411] {strides = array<i32>} : memref<64x512xf32, #tpu.memory_space<vmem>>, vector<1x16xf32>,
        %parallel_loop3A_413 = vector.shape_cast %parallel_loop3A_412 : vector<1x16xf32> to vector<16xf32>
        %parallel_loop3A_414 = vector.shape_cast %parallel_loop3A_404 : vector<16xf32> to vector<1x16xf32>
        tpu.vector_store %arg9[%parallel_loop3A_410, %parallel_loop3A_411], %parallel_loop3A_414 {strides = array<i32>} : memref<64x512xf32, #tpu.memory_space<vmem>>, vector<1x16xf32>,
        %parallel_loop3A_415 = arith.index_cast %parallel_loop3A_84 : i32 to index
        %parallel_loop3A_416 = arith.constant 240 : index
        %parallel_loop3A_417 = tpu.vector_load %arg7[%parallel_loop3A_415, %parallel_loop3A_416] {strides = array<i32>} : memref<64x256xi32, #tpu.memory_space<vmem>>, vector<1x16xi32>,
        %parallel_loop3A_418 = vector.shape_cast %parallel_loop3A_417 : vector<1x16xi32> to vector<16xi32>
        %parallel_loop3A_419 = arith.constant 16 : i32
        %parallel_loop3A_420 = vector.broadcast %parallel_loop3A_419 : i32 to vector<16xi32>
        %parallel_loop3A_421 = arith.shli %parallel_loop3A_418, %parallel_loop3A_420 : vector<16xi32>
        %parallel_loop3A_422 = tpu.bitcast %parallel_loop3A_421 : vector<16xi32> -> vector<16xf32>
        %parallel_loop3A_423 = arith.constant -65536 : i32
        %parallel_loop3A_424 = vector.broadcast %parallel_loop3A_423 : i32 to vector<16xi32>
        %parallel_loop3A_425 = arith.andi %parallel_loop3A_418, %parallel_loop3A_424 : vector<16xi32>
        %parallel_loop3A_426 = tpu.bitcast %parallel_loop3A_425 : vector<16xi32> -> vector<16xf32>
        %parallel_loop3A_427 = arith.index_cast %parallel_loop3A_84 : i32 to index
        %parallel_loop3A_428 = arith.constant 240 : index
        %parallel_loop3A_429 = tpu.vector_load %arg9[%parallel_loop3A_427, %parallel_loop3A_428] {strides = array<i32>} : memref<64x512xf32, #tpu.memory_space<vmem>>, vector<1x16xf32>,
        %parallel_loop3A_430 = vector.shape_cast %parallel_loop3A_429 : vector<1x16xf32> to vector<16xf32>
        %parallel_loop3A_431 = vector.shape_cast %parallel_loop3A_422 : vector<16xf32> to vector<1x16xf32>
        tpu.vector_store %arg9[%parallel_loop3A_427, %parallel_loop3A_428], %parallel_loop3A_431 {strides = array<i32>} : memref<64x512xf32, #tpu.memory_space<vmem>>, vector<1x16xf32>,
        %parallel_loop3A_432 = arith.index_cast %parallel_loop3A_84 : i32 to index
        %parallel_loop3A_433 = arith.constant 496 : index
        %parallel_loop3A_434 = tpu.vector_load %arg9[%parallel_loop3A_432, %parallel_loop3A_433] {strides = array<i32>} : memref<64x512xf32, #tpu.memory_space<vmem>>, vector<1x16xf32>,
        %parallel_loop3A_435 = vector.shape_cast %parallel_loop3A_434 : vector<1x16xf32> to vector<16xf32>
        %parallel_loop3A_436 = vector.shape_cast %parallel_loop3A_426 : vector<16xf32> to vector<1x16xf32>
        tpu.vector_store %arg9[%parallel_loop3A_432, %parallel_loop3A_433], %parallel_loop3A_436 {strides = array<i32>} : memref<64x512xf32, #tpu.memory_space<vmem>>, vector<1x16xf32>,
      } {sc.loop_unroll_factor = 2 : i64, sc.parallel_access}
      %mul3A_72 = arith.constant 64 : i32
      %mul3A_73 = arith.muli %add3A_57, %mul3A_72 : i32
      %add3A_74 = arith.addi %mul3A_2, %mul3A_73 : i32
      %dma_start3A_75 = arith.constant 0 : i32
      %dma_start3A_76 = tpu.memref_slice %arg4[%add3A_74, %dma_start3A_75] : memref<16384x512xf32, #tpu.memory_space<hbm>> -> memref<64x512xf32, #tpu.memory_space<hbm>>
      %dma_start3A_77 = arith.constant 0 : i32
      %dma_start3A_78 = tpu.memref_slice %arg4[%add3A_74, %dma_start3A_77] : memref<16384x512xf32, #tpu.memory_space<hbm>> -> memref<64x512xf32, #tpu.memory_space<hbm>>
      tpu.enqueue_dma source(%arg9 : memref<64x512xf32, #tpu.memory_space<vmem>>) target(%dma_start3A_78 : memref<64x512xf32, #tpu.memory_space<hbm>>) target_semaphore(%arg13 : memref<!tpu.dma_semaphore, #tpu.memory_space<semaphore_mem>>)
      %lt3A_79 = arith.constant 3 : i32
      %lt3A_80 = arith.cmpi slt, %scan3A_28, %lt3A_79 : i32
      %convert_element_type3A_81 = arith.extui %lt3A_80 : i1 to i32
      %cond3A_82 = arith.constant 0 : i32
      %cond3A_83 = arith.cmpi ne, %convert_element_type3A_81, %cond3A_82 : i32
      scf.if %cond3A_83 {
        %add3A_84 = arith.constant 2 : i32
        %add3A_85 = arith.addi %add3A_57, %add3A_84 : i32
        %mul3A_86 = arith.constant 64 : i32
        %mul3A_87 = arith.muli %add3A_85, %mul3A_86 : i32
        %dma_start3A_88 = tpu.memref_slice %arg5[%mul3A_87] : memref<512xi32, #tpu.memory_space<vmem>> -> memref<64xi32, #tpu.memory_space<vmem>>
        %dma_start3A_89 = arith.constant 0 : i32
        %dma_start3A_90 = arith.constant 0 : i32
        %dma_start3A_91 = tpu.memref_slice %arg2[%dma_start3A_89, %dma_start3A_90] : memref<1024x256xi32, #tpu.memory_space<hbm>> -> memref<1024x256xi32, #tpu.memory_space<hbm>>
        tpu.enqueue_indirect_dma source(%dma_start3A_91 : memref<1024x256xi32, #tpu.memory_space<hbm>>) target(%arg7 : memref<64x256xi32, #tpu.memory_space<vmem>>) offsets(%dma_start3A_88 : memref<64xi32, #tpu.memory_space<vmem>>) semaphore(%arg11 : memref<!tpu.dma_semaphore, #tpu.memory_space<semaphore_mem>>)
      } else {
      }
    }
    %scan3A_16 = arith.constant 4 : i32
    %add3A_17 = arith.constant 384 : i32
    %add3A_18 = arith.addi %mul3A_2, %add3A_17 : i32
    %dma_wait3A = arith.constant 0 : i32
    %dma_wait3A_19 = tpu.memref_slice %arg4[%add3A_18, %dma_wait3A] : memref<16384x512xf32, #tpu.memory_space<hbm>> -> memref<64x512xf32, #tpu.memory_space<hbm>>
    %dma_wait3A_20 = arith.constant 0 : i32
    %dma_wait3A_21 = tpu.memref_slice %arg4[%add3A_18, %dma_wait3A_20] : memref<16384x512xf32, #tpu.memory_space<hbm>> -> memref<64x512xf32, #tpu.memory_space<hbm>>
    tpu.wait_dma2 semaphore(%arg12 : memref<!tpu.dma_semaphore, #tpu.memory_space<semaphore_mem>>) src(%arg8 : memref<64x512xf32, #tpu.memory_space<vmem>>) dst(%dma_wait3A_21 : memref<64x512xf32, #tpu.memory_space<hbm>>)
    %add3A_22 = arith.constant 448 : i32
    %add3A_23 = arith.addi %mul3A_2, %add3A_22 : i32
    %dma_wait3A_24 = arith.constant 0 : i32
    %dma_wait3A_25 = tpu.memref_slice %arg4[%add3A_23, %dma_wait3A_24] : memref<16384x512xf32, #tpu.memory_space<hbm>> -> memref<64x512xf32, #tpu.memory_space<hbm>>
    %dma_wait3A_26 = arith.constant 0 : i32
    %dma_wait3A_27 = tpu.memref_slice %arg4[%add3A_23, %dma_wait3A_26] : memref<16384x512xf32, #tpu.memory_space<hbm>> -> memref<64x512xf32, #tpu.memory_space<hbm>>
    tpu.wait_dma2 semaphore(%arg13 : memref<!tpu.dma_semaphore, #tpu.memory_space<semaphore_mem>>) src(%arg9 : memref<64x512xf32, #tpu.memory_space<vmem>>) dst(%dma_wait3A_27 : memref<64x512xf32, #tpu.memory_space<hbm>>)
    return
  }
}

module attributes {stable_mosaic.version = 14 : i64} {
  func.func @_mlp_body(%arg0: i32, %arg1: memref<512x128xf32, #tpu.memory_space<vmem>>, %arg2: memref<128x512xf32, #tpu.memory_space<vmem>>, %arg3: memref<1x512xf32, #tpu.memory_space<vmem>>, %arg4: memref<512x512xf32, #tpu.memory_space<vmem>>, %arg5: memref<1x512xf32, #tpu.memory_space<vmem>>, %arg6: memref<512x256xi32, #tpu.memory_space<vmem>>) attributes {dimension_semantics = [#tpu.dimension_semantics<arbitrary>], iteration_bounds = array<i64: 2>, scalar_prefetch = 0 : i64, scratch_operands = 0 : i64, tpu.core_type = #tpu.core_type<tc>, window_params = [{transform_indices = @transform_0, window_bounds = array<i64: 512, 128>}, {pipeline_mode = #tpu.pipeline_mode<synchronous>, transform_indices = @transform_1, window_bounds = array<i64: 128, 512>}, {pipeline_mode = #tpu.pipeline_mode<synchronous>, transform_indices = @transform_2, window_bounds = array<i64: 1, 512>}, {pipeline_mode = #tpu.pipeline_mode<synchronous>, transform_indices = @transform_3, window_bounds = array<i64: 512, 512>}, {pipeline_mode = #tpu.pipeline_mode<synchronous>, transform_indices = @transform_4, window_bounds = array<i64: 1, 512>}, {transform_indices = @transform_5, window_bounds = array<i64: 512, 256>}]} {
    %get3A = arith.constant 0 : index
    %get3A_0 = arith.constant 0 : index
    %get3A_1 = vector.load %arg1[%get3A, %get3A_0] : memref<512x128xf32, #tpu.memory_space<vmem>>, vector<512x128xf32>
    %convert_element_type3A = arith.truncf %get3A_1 : vector<512x128xf32> to vector<512x128xbf16>
    %get3A_2 = arith.constant 0 : index
    %get3A_3 = arith.constant 0 : index
    %get3A_4 = vector.load %arg2[%get3A_2, %get3A_3] : memref<128x512xf32, #tpu.memory_space<vmem>>, vector<128x512xf32>
    %convert_element_type3A_5 = arith.truncf %get3A_4 : vector<128x512xf32> to vector<128x512xbf16>
    %dot_general3A = arith.constant dense<0.000000e+00> : vector<512x512xf32>
    %dot_general3A_6 = tpu.matmul %convert_element_type3A, %convert_element_type3A_5, %dot_general3A {dimension_numbers = #tpu.dot_dimension_numbers<[1], [0], [0], [1], [0, 0, 1, 1], [], []>, transpose_lhs_hint = false} : vector<512x128xbf16>, vector<128x512xbf16>, vector<512x512xf32> -> vector<512x512xf32>
    %get3A_7 = arith.constant 0 : index
    %get3A_8 = arith.constant 0 : index
    %get3A_9 = vector.load %arg3[%get3A_7, %get3A_8] : memref<1x512xf32, #tpu.memory_space<vmem>>, vector<1x512xf32>
    %add3A = vector.broadcast %get3A_9 : vector<1x512xf32> to vector<512x512xf32>
    %add3A_10 = arith.addf %dot_general3A_6, %add3A : vector<512x512xf32>
    %logistic3A = arith.negf %add3A_10 : vector<512x512xf32>
    %logistic3A_11 = math.exp %logistic3A : vector<512x512xf32>
    %logistic3A_12 = arith.constant 1.000000e+00 : f32
    %logistic3A_13 = vector.broadcast %logistic3A_12 : f32 to vector<512x512xf32>
    %logistic3A_14 = arith.addf %logistic3A_13, %logistic3A_11 : vector<512x512xf32>
    %logistic3A_15 = arith.divf %logistic3A_13, %logistic3A_14 : vector<512x512xf32>
    %mul3A = arith.mulf %add3A_10, %logistic3A_15 : vector<512x512xf32>
    %convert_element_type3A_16 = arith.truncf %mul3A : vector<512x512xf32> to vector<512x512xbf16>
    %get3A_17 = arith.constant 0 : index
    %get3A_18 = arith.constant 0 : index
    %get3A_19 = vector.load %arg4[%get3A_17, %get3A_18] : memref<512x512xf32, #tpu.memory_space<vmem>>, vector<512x512xf32>
    %convert_element_type3A_20 = arith.truncf %get3A_19 : vector<512x512xf32> to vector<512x512xbf16>
    %dot_general3A_21 = arith.constant dense<0.000000e+00> : vector<512x512xf32>
    %dot_general3A_22 = tpu.matmul %convert_element_type3A_16, %convert_element_type3A_20, %dot_general3A_21 {dimension_numbers = #tpu.dot_dimension_numbers<[1], [0], [0], [1], [0, 0, 1, 1], [], []>, transpose_lhs_hint = false} : vector<512x512xbf16>, vector<512x512xbf16>, vector<512x512xf32> -> vector<512x512xf32>
    %get3A_23 = arith.constant 0 : index
    %get3A_24 = arith.constant 0 : index
    %get3A_25 = vector.load %arg5[%get3A_23, %get3A_24] : memref<1x512xf32, #tpu.memory_space<vmem>>, vector<1x512xf32>
    %add3A_26 = vector.broadcast %get3A_25 : vector<1x512xf32> to vector<512x512xf32>
    %add3A_27 = arith.addf %dot_general3A_22, %add3A_26 : vector<512x512xf32>
    %slice3A = vector.extract_strided_slice %add3A_27 {offsets = [0, 0], sizes = [512, 256], strides = [1, 1]} : vector<512x512xf32> to vector<512x256xf32>
    %convert_element_type3A_28 = arith.truncf %slice3A : vector<512x256xf32> to vector<512x256xbf16>
    %bitcast_convert_type3A = tpu.bitcast %convert_element_type3A_28 : vector<512x256xbf16> -> vector<512x256xi16>
    %convert_element_type3A_29 = arith.extsi %bitcast_convert_type3A : vector<512x256xi16> to vector<512x256xi32>
    %slice3A_30 = vector.extract_strided_slice %add3A_27 {offsets = [0, 256], sizes = [512, 256], strides = [1, 1]} : vector<512x512xf32> to vector<512x256xf32>
    %convert_element_type3A_31 = arith.truncf %slice3A_30 : vector<512x256xf32> to vector<512x256xbf16>
    %bitcast_convert_type3A_32 = tpu.bitcast %convert_element_type3A_31 : vector<512x256xbf16> -> vector<512x256xi16>
    %convert_element_type3A_33 = arith.extsi %bitcast_convert_type3A_32 : vector<512x256xi16> to vector<512x256xi32>
    %and3A = arith.constant 65535 : i32
    %and3A_34 = vector.broadcast %and3A : i32 to vector<512x256xi32>
    %and3A_35 = arith.andi %convert_element_type3A_29, %and3A_34 : vector<512x256xi32>
    %shift_left3A = arith.constant 16 : i32
    %shift_left3A_36 = vector.broadcast %shift_left3A : i32 to vector<512x256xi32>
    %shift_left3A_37 = arith.shli %convert_element_type3A_33, %shift_left3A_36 : vector<512x256xi32>
    %or3A = arith.ori %and3A_35, %shift_left3A_37 : vector<512x256xi32>
    %swap3A = arith.constant 0 : index
    %swap3A_38 = arith.constant 0 : index
    %swap3A_39 = vector.load %arg6[%swap3A, %swap3A_38] : memref<512x256xi32, #tpu.memory_space<vmem>>, vector<512x256xi32>
    tpu.vector_store %arg6[%swap3A, %swap3A_38], %or3A {strides = array<i32>} : memref<512x256xi32, #tpu.memory_space<vmem>>, vector<512x256xi32>,
    return
  }
  func.func @transform_0(%arg0: i32) -> (i32, i32) {
    %c0_i32 = arith.constant 0 : i32
    %c0_i32_0 = arith.constant 0 : i32
    return %arg0, %c0_i32 : i32, i32
  }
  func.func @transform_1(%arg0: i32) -> (i32, i32) {
    %c0_i32 = arith.constant 0 : i32
    %c0_i32_0 = arith.constant 0 : i32
    %c0_i32_1 = arith.constant 0 : i32
    return %c0_i32, %c0_i32_0 : i32, i32
  }
  func.func @transform_2(%arg0: i32) -> (i32, i32) {
    %c0_i32 = arith.constant 0 : i32
    %c0_i32_0 = arith.constant 0 : i32
    %c0_i32_1 = arith.constant 0 : i32
    return %c0_i32, %c0_i32_0 : i32, i32
  }
  func.func @transform_3(%arg0: i32) -> (i32, i32) {
    %c0_i32 = arith.constant 0 : i32
    %c0_i32_0 = arith.constant 0 : i32
    %c0_i32_1 = arith.constant 0 : i32
    return %c0_i32, %c0_i32_0 : i32, i32
  }
  func.func @transform_4(%arg0: i32) -> (i32, i32) {
    %c0_i32 = arith.constant 0 : i32
    %c0_i32_0 = arith.constant 0 : i32
    %c0_i32_1 = arith.constant 0 : i32
    return %c0_i32, %c0_i32_0 : i32, i32
  }
  func.func @transform_5(%arg0: i32) -> (i32, i32) {
    %c0_i32 = arith.constant 0 : i32
    %c0_i32_0 = arith.constant 0 : i32
    return %arg0, %c0_i32 : i32, i32
  }
}

</mosaic_0001>

<sc_bundles>
// kernel: kernel.4.cloned.1.call-start
scs
__scs_entry_jumppad:
0x0: {  	(pc) =	sbr.rel $0x88, $3  }
0x1: {  	(tag) =	ssettag $0x0;
	lr =	simm.s32 $0x1  }
0x2: {  	[smem:$0x3F9B] =	sst lr;
	_ =	strace $0xD0000000  }
0x3: {  	_ = 	snop  }
0x4: {  	_ = 	snop  }
0x5: {  	_ = 	snop  }
0x6: {  	_ = 	snop  }
0x7: {  	_ = 	snop  }
__scs_overlays_trampoline_lowered:
0x8: {  	[smem:$0x3FAA] =	sst s0  }
0x9: {  	[smem:$0x3FAB] =	sst s1  }
0xa: {  	[smem:$0x3FAC] =	sst s2  }
0xb: {  	[smem:$0x3FAD] =	sst s3  }
0xc: {  	[smem:$0x3FAE] =	sst s4  }
0xd: {  	[smem:$0x3FAF] =	sst s5  }
0xe: {  	[smem:$0x3FB0] =	sst s6  }
0xf: {  	[smem:$0x3FB1] =	sst s7  }
0x10: {  	[smem:$0x3FB2] =	sst s8  }
0x11: {  	[smem:$0x3FB3] =	sst s9;
	s0 =	simm.s32 @!p0 $0x0  }
0x12: {  	s1 =	sld [smem:$0x3F99];
	s0 =	simm.s32 @p0 $0x1  }
0x13: {  	[smem:$0x3FB4] =	sst s0;
	s0 =	simm.s32 @!p1 $0x0  }
0x14: {  	s2 =	sld [smem:$0x3F98];
	s0 =	simm.s32 @p1 $0x1  }
0x15: {  	[smem:$0x3FB5] =	sst s0;
	s0 =	simm.s32 @!p2 $0x0  }
0x16: {  	s3 =	sld [smem:$0x3FDB];
	s0 =	simm.s32 @p2 $0x1  }
0x17: {  	s4 =	simm.s32 $0x1BF5;
	[smem:$0x3FB7] =	sst s0  }
0x18: {  	s0 =	sld [smem:$0x3F9A];
	_ =	swait.ge [sflag:s4], $0x0  }
0x19: {  	s7 =	sld [smem:$0x3F9B]  }
0x1a: {  	s8 =	sadd.s32 $0xFFFFE003, lr  }
0x1b: {  	s9 =	sadd.s32 $0xFFFFFEF7, lr;
	s5 =	simm.s32 $0xFFFFFFFF;
	p2 =	slt.u32 s8, $0xFFFFF086  }
0x1c: {  	p1 =	slt.u32 s9, $0xF7A;
	s5 =	simm.s32 @!p2 $0x0  }
0x1d: {  	s5 =	simm.s32 @p1 $0x1;
	p0 =	seq.s32 s7, s2  }
0x1e: {  	s7 =	smul.u32 @!p0 $0xF7A, s2;
	p2 =	seq.s32 @!p0 s5, $0x0  }
0x1f: {  	s9 =	smul.u32 $0xF7A, s1;
	s8 =	simm.s32 @!p0 $0x1BF5;
	p2 =	por !p2, p0  }
0x20: {  	[sflag:s8] =	ssyncset.s32 @!p0 $0xFFFFF086;
	s6 =	sadd.s32 @!p0 s3, s7;
	s7 =	simm.s32 @!p0 $0x108  }
0x21: {  	s3 =	sadd.s32 s3, s9;
	s6 =	sadd.s32 @!p0 $0x88, s6;
	s7 =	simm.s32 @p2 $0x1082  }
0x22: {  	[simem:s7], [sflag:s8] =	dma.local @!p0 [hbm:s6], $0xF7A  }
0x23: {  	s9 =	sor.u32 $0xD0000000, s2;
	s6 =	simm.s32 $0x108;
	_ =	swait.ge @!p0 [sflag:s8], $0x0  }
0x24: {  	s3 =	sadd.s32 $0x88, s3;
	s6 =	simm.s32 @!p1 $0x1082;
	[sflag:s4] =	ssyncset.s32 $0xFFFFF086  }
0x25: {  	[simem:s6], [sflag:s4] =	dma.local [hbm:s3], $0xF7A  }
0x26: {  	[smem:$0x3F9B] =	sst s1;
	(tag) =	ssettag s2;
	_ =	strace s9  }
0x27: {  	s1 =	sld [smem:$0x3FAB]  }
0x28: {  	s2 =	sld [smem:$0x3FAC]  }
0x29: {  	s4 =	sld [smem:$0x3FAE]  }
0x2a: {  	p0 =	seq.s32 s5, $0x0;
	s5 =	sld [smem:$0x3FAF]  }
0x2b: {  	s6 =	sld [smem:$0x3FB0]  }
0x2c: {  	s7 =	sld [smem:$0x3FB1]  }
0x2d: {  	s3 =	simm.s32 $0x108;
	s8 =	sld [smem:$0x3FB2]  }
0x2e: {  	s3 =	simm.s32 @!p0 $0x1082;
	s9 =	sld [smem:$0x3FB3]  }
0x2f: {  	lr =	sadd.s32 s0, s3;
	s0 =	sld [smem:$0x3FAA]  }
0x30: {  	s3 =	sld [smem:$0x3FAD]  }
0x31: {  	[smem:$0x3FB6] =	sst s10  }
0x32: {  	s10 =	sld [smem:$0x3FB4];
	_ =	sdelay $0x3  }
0x33: {  	p0 =	seq.s32 s10, $0x1;
	s10 =	sld [smem:$0x3FB6];
	_ =	sdelay $0x3  }
0x34: {  	[smem:$0x3FB6] =	sst s10  }
0x35: {  	s10 =	sld [smem:$0x3FB5];
	_ =	sdelay $0x3  }
0x36: {  	p1 =	seq.s32 s10, $0x1;
	s10 =	sld [smem:$0x3FB6];
	_ =	sdelay $0x3  }
0x37: {  	[smem:$0x3FB6] =	sst s10  }
0x38: {  	s10 =	sld [smem:$0x3FB7]  }
0x39: {  	_ = 	snop;
	(pc) =	sbr.ind lr, $3  }
0x3a: {  	_ = 	snop  }
0x3b: {  	_ = 	snop  }
0x3c: {  	p2 =	seq.s32 s10, $0x1;
	s10 =	sld [smem:$0x3FB6]  }
0x3d: {  	_ =	shalt  }
0x3e: {  	_ =	shalt  }
0x3f: {  	_ =	shalt  }
0x40: {  	_ =	shalt  }
0x41: {  	_ =	shalt  }
0x42: {  	_ =	shalt  }
0x43: {  	_ =	shalt  }
0x44: {  	_ =	shalt  }
0x45: {  	_ =	shalt  }
0x46: {  	_ =	shalt  }
0x47: {  	_ =	shalt  }
0x48: {  	_ =	shalt  }
0x49: {  	_ =	shalt  }
0x4a: {  	_ =	shalt  }
0x4b: {  	_ =	shalt  }
0x4c: {  	_ =	shalt  }
0x4d: {  	_ =	shalt  }
0x4e: {  	_ =	shalt  }
0x4f: {  	_ =	shalt  }
0x50: {  	_ =	shalt  }
0x51: {  	_ =	shalt  }
0x52: {  	_ =	shalt  }
0x53: {  	_ =	shalt  }
0x54: {  	_ =	shalt  }
0x55: {  	_ =	shalt  }
0x56: {  	_ =	shalt  }
0x57: {  	_ =	shalt  }
0x58: {  	_ =	shalt  }
0x59: {  	_ =	shalt  }
0x5a: {  	_ =	shalt  }
0x5b: {  	_ =	shalt  }
0x5c: {  	_ =	shalt  }
0x5d: {  	_ =	shalt  }
0x5e: {  	_ =	shalt  }
0x5f: {  	_ =	shalt  }
0x60: {  	_ =	shalt  }
0x61: {  	_ =	shalt  }
0x62: {  	_ =	shalt  }
0x63: {  	_ =	shalt  }
0x64: {  	_ =	shalt  }
0x65: {  	_ =	shalt  }
0x66: {  	_ =	shalt  }
0x67: {  	_ =	shalt  }
0x68: {  	_ =	shalt  }
0x69: {  	_ =	shalt  }
0x6a: {  	_ =	shalt  }
0x6b: {  	_ =	shalt  }
0x6c: {  	_ =	shalt  }
0x6d: {  	_ =	shalt  }
0x6e: {  	_ =	shalt  }
0x6f: {  	_ =	shalt  }
0x70: {  	_ =	shalt  }
0x71: {  	_ =	shalt  }
0x72: {  	_ =	shalt  }
0x73: {  	_ =	shalt  }
0x74: {  	_ =	shalt  }
0x75: {  	_ =	shalt  }
0x76: {  	_ =	shalt  }
0x77: {  	_ =	shalt  }
0x78: {  	_ =	shalt  }
0x79: {  	_ =	shalt  }
0x7a: {  	_ =	shalt  }
0x7b: {  	_ =	shalt  }
0x7c: {  	_ =	shalt  }
0x7d: {  	_ =	shalt  }
0x7e: {  	_ =	shalt  }
0x7f: {  	_ =	shalt  }
0x80: {  	_ =	shalt  }
0x81: {  	_ =	shalt  }
0x82: {  	_ =	shalt  }
0x83: {  	_ =	shalt  }
0x84: {  	_ =	shalt  }
0x85: {  	_ =	shalt  }
0x86: {  	_ =	shalt  }
0x87: {  	_ =	shalt  }
.Lfunc_end0:
.L_simem_size_0:
called_computation_lowered:
.L_overlay_start_0:
0x88: {  	s2 =	sld [smem:$0x3FD9]  }
0x89: {  	s3 =	sld [smem:$0x3FFE];
	_ =	sdelay $0x1  }
0x8a: {  	s1 =	srdreg.scid  }
0x8b: {  	s0 =	sand.u32 $0x1, s1  }
0x8c: {  	s17 =	sshll.u32 s0, $0xA;
	s2 =	sadd.s32 s3, s2  }
0x8d: {  	s2 =	sadd.s32 s2, s17  }
0x8e: {  	[smem:$0x3FC2] =	sst s2  }
0x8f: {  	_ = 	snop  }
0x90: {  	s2 =	sld [smem:$0x3FC9]  }
0x91: {  	s18 =	sld [smem:$0x3FD0];
	(tm) =	ssettm $0x1  }
0x92: {  	s4 =	sld [smem:$0x3FFB];
	_ =	sdelay $0x3  }
0x93: {  	_ =	strace s4  }
0x94: {  	s4 =	sld [smem:$0x3FFC];
	_ =	sdelay $0x3  }
0x95: {  	_ =	strace s4  }
0x96: {  	s4 =	sld [smem:$0x3FFD];
	_ =	sdelay $0x3  }
0x97: {  	_ =	strace s4  }
0x98: {  	_ =	strace $0x8FFFFFFF  }
0x99: {  	s19 =	sld [smem:$0x3FDB];
	_ =	sdelay $0x1  }
0x9a: {  	s5 =	simm.s32 $_scs_section_size  }
0x9b: {  	s6 =	simm.s32 $_size__tile_overlayer_lowered;
	s7 =	simm.s32 $_tile_overlayer_lowered  }
0x9c: {  	s22 =	simm.s32 $0x1BFF;
	s21 =	sshll.u32 s7, $0x1;
	s4 =	sadd.s32 s5, s19  }
0x9d: {  	s8 =	simm.s32 $0x0;
	s20 =	sshll.u32 s6, $0x1;
	s6 =	sadd.s32 s21, s4  }
0x9e: {  	[timem:s8], [sflag:s22] =	dma.local [hbm:s6], s20  }
0x9f: {  	_ =	swait.ge [sflag:s22], s20  }
0xa0: {  	s5 =	ssub.s32 $0x0, s20;
	[sflag:s22] =	ssyncset.done $0x0  }
0xa1: {  	[sflag:s22] =	ssyncadd.s32 s5;
	_ =	sdelay $0x1  }
0xa2: {  	s23 =	simm.s32 $0x1B8B  }
0xa3: {  	_ =	swait.ge [sflag:s23], $0x1  }
0xa4: {  	[sflag:s23] =	ssyncset.done $0x0  }
0xa5: {  	s25 =	simm.s32 $0x1B8E;
	s24 =	sld [smem:$0x3FFE];
	[sflag:s23] =	ssyncadd.s32 $0xFFFFFFFF  }
0xa6: {  	s26 =	simm.s32 $execute0_lowered;
	[smem:$0x3FD2] =	sst s25  }
0xa7: {  	s6 =	sshll.u32 s26, $0x1;
	_ =	strace $0x80000046;
	[dreg:$0x1] =	wrdreg $0xFFFFFFFF  }
0xa8: {  	s28 =	simm.s32 $_size_execute0_lowered;
	s4 =	sadd.s32 s4, s6;
	[dreg:$0x0] =	wrdreg $0x0  }
0xa9: {  	s6 =	sshll.u32 s28, $0x1;
	[dreg:$0x2] =	wrdreg s4  }
0xaa: {  	[dreg:$0x3] =	wrdreg s6  }
0xab: {  	[dreg:$0x4] =	wrdreg $0xC0  }
0xac: {  	_ =	task [dreg:s8], $0x5FFFF  }
0xad: {  	[dreg:$0x1] =	wrdreg $0xFFFFFFFF  }
0xae: {  	[dreg:$0x0] =	wrdreg $0x60  }
0xaf: {  	[dreg:$0x2] =	wrdreg s24  }
0xb0: {  	[dreg:$0x3] =	wrdreg s2  }
0xb1: {  	[dreg:$0x4] =	wrdreg s18  }
0xb2: {  	[dreg:$0x5] =	wrdreg $0x9  }
0xb3: {  	_ =	task.clear_ibuf [dreg:s8], $0x6FFFF;
	_ =	strace $0x90000046  }
0xb4: {  	s29 =	simm.s32 $0x9;
	_ =	strace $0x80000048  }
0xb5: {  	_ =	swait.ge [sflag:s29], $0x1  }
0xb6: {  	[sflag:s29] =	ssyncadd.s32 $0xFFFFFFFF  }
0xb7: {  	_ =	strace $0x90000048  }
0xb8: {  	_ =	sfence  }
0xb9: {  	s30 =	sld [smem:$0x0];
	_ =	sdelay $0x2  }
0xba: {  	s31 =	sshll.u32 s1, $0xD;
	s1 =	sshrl.u32 s1, $0x2  }
0xbb: {  	s3 =	sand.u32 $0x4000, s31;
	s1 =	sadd.s32 s1, s30  }
0xbc: {  	s0 =	sor.u32 s3, s0;
	s1 =	sshll.u32 s1, $0x11  }
0xbd: {  	s0 =	sor.u32 s1, s0  }
0xbe: {  	s0 =	sadd.s32 $0x8F2B, s0  }
0xbf: {  	[sflag:s0] =	ssyncadd.remote.s32 $0x1  }
0xc0: {  	_ =	sfence.sel $0xFFFF  }
0xc1: {  	[dreg:$0x0] =	wrdreg $0xFFFFFFFF;
	(pc) =	sbr.abs _section_cstart, $3  }
0xc2: {  	[dreg:$0x1] =	wrdreg $0xFFFFFFFF  }
0xc3: {  	_ =	task.clear_ibuf [dreg:s8], $0x2FFFF;
	_ =	strace $0x9FFFFFFF  }
0xc4: {  	(tm) =	ssettm $0x7FFFFFFF  }
0xc5: {  	_ =	shalt  }
tec
execute0_lowered:
.L_overlay_start_1:
0x0: {  	(tag) =	ssettag $0x1  }
0x1: {  	s0 =	rddreg [dreg:$0x0]  }
0x2: {  	s1 =	rddreg [dreg:$0x1]  }
0x3: {  	s4 =	rddreg [dreg:$0x2];
	s3 =	srdreg.scid  }
0x4: {  	s2 =	simm.s32 $0x0;
	s5 =	stileid.u32;
	s19 =	simm.s32 $0x5200  }
0x5: {  	s20 =	simm.s32 $0x5A00;
	s21 =	simm.s32 $0x6200;
	s22 =	simm.s32 $0x6A00  }
0x6: {  	s23 =	simm.s32 $0x7200;
	s24 =	simm.s32 $0x7A00;
	s25 =	simm.s32 $0x1  }
0x7: {  	s26 =	simm.s32 $0x8200;
	s28 =	simm.s32 $0x2;
	s29 =	simm.s32 $0x4  }
0x8: {  	s30 =	simm.s32 $0x10200;
	s3 =	sand.u32 $0x1, s3;
	[smem:$0x7FF] =	sst s2  }
0x9: {  	s5 =	sshll.u32 s5, $0xA;
	s6 =	sshll.u32 s3, $0x9;
	_ =	strace $0x80000047  }
.Ltmp0:
0xa: {  	s7 =	ssub.s32 $0x2, s3;
	s5 =	sor.u32 s6, s5;
	(pc) =	sbr.rel .LBB2_1-.Ltmp0, $4  }
0xb: {  	s31 =	sshrl.u32 s7, $0x1;
	s6 =	sshll.u32 s5, $0x6;
	s5 =	sshrl.u32 s5, $0x3  }
0xc: {  	v2 =	vlaneseq.u32;
	s3 =	sadd.s32 $0x1000, s0;
	s0 =	ssub.s32 s7, s31;
	s1 =	sadd.s32 s1, s5  }
0xd: {  	vm0 =	vmmov $0xffff;
	v1 =	vshrl.u32 v2, $0x3;
	s4 =	sadd.s32 s4, s6;
	s0 =	smax.u32 s0, $0x1;
	[dreg:$0x4] =	wrdreg s1  }
0xe: {  	v0 =	vand.u32 $0x7, v2;
	v2 =	vor.u32 $0x8, v2;
	v1 =	vmul.u32 $0x8, v1;
	[dreg:$0x5] =	wrdreg s0;
	s7 =	sadd.s32 $0x1000, s4;
	s1 =	simm.s32 $0x0  }
.LBB2_12:
0xf: {  	s0 =	simm.s32 $0x3  }
0x10: {  	_ =	swait.ge [sflag:s0], $0x8000  }
0x11: {  	[sflag:s0] =	ssyncset.done $0x0  }
0x12: {  	[sflag:s0] =	ssyncadd.s32 $0xFFFF8000  }
0x13: {  	_ =	swait.ge [sflag:s29], $0x8000  }
0x14: {  	s1 =	rddreg [dreg:$0x6]  }
0x15: {  	s31 =	rddreg [dreg:$0x5];
	s1 =	sadd.s32 $0x1, s1  }
0x16: {  	p0 =	sne.s32 s1, s31  }
.Ltmp1:
0x17: {  	_ = 	snop;
	(pc) =	sbr.rel @!p0 .LBB2_13-.Ltmp1, $3  }
0x18: {  	_ =	sdelay $0x1  }
0x19: {  	[sflag:s29] =	ssyncset.done $0x0  }
0x1a: {  	[sflag:s29] =	ssyncadd.s32 $0xFFFF8000  }
.LBB2_1:
0x1b: {  	[dreg:$0x6] =	wrdreg s1  }
0x1c: {  	s0 =	rddreg [dreg:$0x4];
	s9 =	simm.s32 $0x5  }
0x1d: {  	[tilespmem:s2], [sflag:$0x5] =	stream.linear.gather [hbm4b:s0+s2], $0x200, $0x38;
	[tilespmem:$0x18200] =	vst v63  }
0x1e: {  	_ =	swait.ge [sflag:s9], $0x200  }
0x1f: {  	[sflag:s9] =	ssyncset.done $0x0  }
0x20: {  	[sflag:s9] =	ssyncadd.s32 $0xFFFFFE00  }
0x21: {  	v3 =	vld [tilespmem:$0x0];
	_ =	sdelay $0x4  }
0x22: {  	v4 =	vshll.u32 v3, $0x1  }
0x23: {  	v3 =	vand.u32 $0x7, v3;
	v4 =	vand.u32 $0xFFFFFFF0, v4  }
0x24: {  	v3 =	vor.u32 v3, v4  }
0x25: {  	v4 =	vperm.xlane v3, v0;
	_ =	sdelay $0x1  }
0x26: {  	v3 =	vperm.xlane v3, v2;
	v4 =	vadd.s32 v1, v4;
	_ =	sdelay $0x1  }
0x27: {  	v3 =	vadd.s32 v1, v3;
	_ =	sdelay $0x1  }
0x28: {  	s10 =	simm.s32 $0x200  }
0x29: {  	[tilespmem:s10], [sflag:$0x1] =	stream.indirect_vreg.gather [hbm4b:s3+s2], $0x80, v4, vm0, $0xb8;
	[tilespmem:$0x18200] =	vst v63  }
0x2a: {  	s11 =	simm.s32 $0xA00  }
0x2b: {  	[tilespmem:s11], [sflag:$0x1] =	stream.indirect_vreg.gather [hbm4b:s3+s2], $0x80, v3, vm0, $0xb8;
	[tilespmem:$0x18200] =	vst v63  }
0x2c: {  	v3 =	vld [tilespmem:$0x10];
	_ =	sdelay $0x4  }
0x2d: {  	v57 =	vshll.u32 v3, $0x1  }
0x2e: {  	v3 =	vand.u32 $0x7, v3;
	v4 =	vand.u32 $0xFFFFFFF0, v57  }
0x2f: {  	v3 =	vor.u32 v3, v4  }
0x30: {  	v4 =	vperm.xlane v3, v0;
	_ =	sdelay $0x1  }
0x31: {  	v3 =	vperm.xlane v3, v2;
	v4 =	vadd.s32 v1, v4;
	_ =	sdelay $0x1  }
0x32: {  	v3 =	vadd.s32 v1, v3;
	_ =	sdelay $0x1  }
0x33: {  	s12 =	simm.s32 $0x1200  }
0x34: {  	[tilespmem:s12], [sflag:$0x1] =	stream.indirect_vreg.gather [hbm4b:s3+s2], $0x80, v4, vm0, $0xb8;
	[tilespmem:$0x18200] =	vst v63  }
0x35: {  	s13 =	simm.s32 $0x1A00  }
0x36: {  	[tilespmem:s13], [sflag:$0x1] =	stream.indirect_vreg.gather [hbm4b:s3+s2], $0x80, v3, vm0, $0xb8;
	[tilespmem:$0x18200] =	vst v63  }
0x37: {  	v3 =	vld [tilespmem:$0x20];
	_ =	sdelay $0x4  }
0x38: {  	v58 =	vshll.u32 v3, $0x1  }
0x39: {  	v3 =	vand.u32 $0x7, v3;
	v4 =	vand.u32 $0xFFFFFFF0, v58  }
0x3a: {  	v3 =	vor.u32 v3, v4  }
0x3b: {  	v4 =	vperm.xlane v3, v0;
	_ =	sdelay $0x1  }
0x3c: {  	v3 =	vperm.xlane v3, v2;
	v4 =	vadd.s32 v1, v4;
	_ =	sdelay $0x1  }
0x3d: {  	v3 =	vadd.s32 v1, v3;
	_ =	sdelay $0x1  }
0x3e: {  	s14 =	simm.s32 $0x2200  }
0x3f: {  	[tilespmem:s14], [sflag:$0x1] =	stream.indirect_vreg.gather [hbm4b:s3+s2], $0x80, v4, vm0, $0xb8;
	[tilespmem:$0x18200] =	vst v63  }
0x40: {  	s15 =	simm.s32 $0x2A00  }
0x41: {  	[tilespmem:s15], [sflag:$0x1] =	stream.indirect_vreg.gather [hbm4b:s3+s2], $0x80, v3, vm0, $0xb8;
	[tilespmem:$0x18200] =	vst v63  }
0x42: {  	v3 =	vld [tilespmem:$0x30];
	_ =	sdelay $0x4  }
0x43: {  	v59 =	vshll.u32 v3, $0x1  }
0x44: {  	v3 =	vand.u32 $0x7, v3;
	v4 =	vand.u32 $0xFFFFFFF0, v59  }
0x45: {  	v3 =	vor.u32 v3, v4  }
0x46: {  	v4 =	vperm.xlane v3, v0;
	_ =	sdelay $0x1  }
0x47: {  	v3 =	vperm.xlane v3, v2;
	v4 =	vadd.s32 v1, v4;
	_ =	sdelay $0x1  }
0x48: {  	v3 =	vadd.s32 v1, v3;
	_ =	sdelay $0x1  }
0x49: {  	s16 =	simm.s32 $0x3200  }
0x4a: {  	[tilespmem:s16], [sflag:$0x1] =	stream.indirect_vreg.gather [hbm4b:s3+s2], $0x80, v4, vm0, $0xb8;
	[tilespmem:$0x18200] =	vst v63  }
0x4b: {  	s17 =	simm.s32 $0x3A00  }
0x4c: {  	[tilespmem:s17], [sflag:$0x1] =	stream.indirect_vreg.gather [hbm4b:s3+s2], $0x80, v3, vm0, $0xb8;
	[tilespmem:$0x18200] =	vst v63  }
0x4d: {  	v3 =	vld [tilespmem:$0x40];
	_ =	sdelay $0x4  }
0x4e: {  	v60 =	vshll.u32 v3, $0x1  }
0x4f: {  	v3 =	vand.u32 $0x7, v3;
	v4 =	vand.u32 $0xFFFFFFF0, v60  }
0x50: {  	v3 =	vor.u32 v3, v4  }
0x51: {  	v4 =	vperm.xlane v3, v0;
	_ =	sdelay $0x1  }
0x52: {  	v3 =	vperm.xlane v3, v2;
	v4 =	vadd.s32 v1, v4;
	_ =	sdelay $0x1  }
0x53: {  	v3 =	vadd.s32 v1, v3;
	_ =	sdelay $0x1  }
0x54: {  	s18 =	simm.s32 $0x4200  }
0x55: {  	[tilespmem:s18], [sflag:$0x2] =	stream.indirect_vreg.gather [hbm4b:s3+s2], $0x80, v4, vm0, $0xb8;
	[tilespmem:$0x18200] =	vst v63  }
0x56: {  	s31 =	simm.s32 $0x4A00  }
0x57: {  	[tilespmem:s31], [sflag:$0x2] =	stream.indirect_vreg.gather [hbm4b:s3+s2], $0x80, v3, vm0, $0xb8;
	[tilespmem:$0x18200] =	vst v63  }
0x58: {  	v3 =	vld [tilespmem:$0x50];
	_ =	sdelay $0x4  }
0x59: {  	v61 =	vshll.u32 v3, $0x1  }
0x5a: {  	v3 =	vand.u32 $0x7, v3;
	v4 =	vand.u32 $0xFFFFFFF0, v61  }
0x5b: {  	v3 =	vor.u32 v3, v4  }
0x5c: {  	v4 =	vperm.xlane v3, v0;
	_ =	sdelay $0x1  }
0x5d: {  	v3 =	vperm.xlane v3, v2;
	v4 =	vadd.s32 v1, v4;
	_ =	sdelay $0x1  }
0x5e: {  	v3 =	vadd.s32 v1, v3;
	_ =	sdelay $0x2  }
0x5f: {  	[tilespmem:s19], [sflag:$0x2] =	stream.indirect_vreg.gather [hbm4b:s3+s2], $0x80, v4, vm0, $0xb8;
	[tilespmem:$0x18200] =	vst v63  }
0x60: {  	_ = 	snop  }
0x61: {  	[tilespmem:s20], [sflag:$0x2] =	stream.indirect_vreg.gather [hbm4b:s3+s2], $0x80, v3, vm0, $0xb8;
	[tilespmem:$0x18200] =	vst v63  }
0x62: {  	v3 =	vld [tilespmem:$0x60];
	_ =	sdelay $0x4  }
0x63: {  	v62 =	vshll.u32 v3, $0x1  }
0x64: {  	v3 =	vand.u32 $0x7, v3;
	v4 =	vand.u32 $0xFFFFFFF0, v62  }
0x65: {  	v3 =	vor.u32 v3, v4  }
0x66: {  	v4 =	vperm.xlane v3, v0;
	_ =	sdelay $0x1  }
0x67: {  	v3 =	vperm.xlane v3, v2;
	v4 =	vadd.s32 v1, v4;
	_ =	sdelay $0x1  }
0x68: {  	v3 =	vadd.s32 v1, v3;
	_ =	sdelay $0x2  }
0x69: {  	[tilespmem:s21], [sflag:$0x2] =	stream.indirect_vreg.gather [hbm4b:s3+s2], $0x80, v4, vm0, $0xb8;
	[tilespmem:$0x18200] =	vst v63  }
0x6a: {  	_ = 	snop  }
0x6b: {  	[tilespmem:s22], [sflag:$0x2] =	stream.indirect_vreg.gather [hbm4b:s3+s2], $0x80, v3, vm0, $0xb8;
	[tilespmem:$0x18200] =	vst v63  }
0x6c: {  	v3 =	vld [tilespmem:$0x70];
	_ =	sdelay $0x4  }
0x6d: {  	v63 =	vshll.u32 v3, $0x1  }
0x6e: {  	v3 =	vand.u32 $0x7, v3;
	v4 =	vand.u32 $0xFFFFFFF0, v63  }
0x6f: {  	v3 =	vor.u32 v3, v4  }
0x70: {  	v4 =	vperm.xlane v3, v0;
	_ =	sdelay $0x1  }
0x71: {  	v3 =	vperm.xlane v3, v2;
	v4 =	vadd.s32 v1, v4;
	_ =	sdelay $0x1  }
0x72: {  	v3 =	vadd.s32 v1, v3;
	_ =	sdelay $0x2  }
0x73: {  	[tilespmem:s23], [sflag:$0x2] =	stream.indirect_vreg.gather [hbm4b:s3+s2], $0x80, v4, vm0, $0xb8;
	[tilespmem:$0x18200] =	vst v63  }
0x74: {  	s1 =	simm.s32 $0x0  }
0x75: {  	[tilespmem:s24], [sflag:$0x2] =	stream.indirect_vreg.gather [hbm4b:s3+s2], $0x80, v3, vm0, $0xb8;
	[tilespmem:$0x18200] =	vst v63  }
.LBB2_2:
0x76: {  	_ =	swait.ge [sflag:s25], $0x4000  }
0x77: {  	p0 =	seq.s32 s1, $0x0;
	s5 =	simm.s32 $0x0;
	[sflag:s25] =	ssyncset.done $0x0  }
0x78: {  	s6 =	simm.s32 $0x0;
	s0 =	simm.s32 @!p0 $0x3;
	[sflag:s25] =	ssyncadd.s32 $0xFFFFC000  }
0x79: {  	s8 =	sand.u32 $0x300, s5;
	s11 =	sand.u32 $0x3FFFF800, s6;
	_ =	swait.ge @!p0 [sflag:s0], $0x8000  }
0x7a: {  	s5 =	sor.u32 $0x200, s11;
	s12 =	sor.u32 $0x80, s8;
	[sflag:s0] =	ssyncset.done @!p0 $0x0  }
0x7b: {  	s9 =	sadd.s32 s12, s5;
	[sflag:s0] =	ssyncadd.s32 @!p0 $0xFFFF8000  }
0x7c: {  	v3 =	vld [tilespmem:s9+$0x0];
	_ =	sdelay $0x1  }
0x7d: {  	s10 =	simm.s32 $0x0  }
0x7e: {  	s13 =	sand.u32 $0x3FFFF000, s10;
	s0 =	sadd.s32 s8, s5  }
0x7f: {  	s10 =	sadd.s32 $0x8200, s13;
	v4 =	vld [tilespmem:s0+$0x0]  }
0x80: {  	s5 =	sadd.s32 s12, s10;
	v5 =	vshll.u32 v3, $0x10  }
0x81: {  	v3 =	vand.u32 $0xFFFF0000, v3;
	[tilespmem:s5+$0x0] =	vst v5  }
0x82: {  	[tilespmem:s5+$0x800] =	vst v3  }
0x83: {  	v3 =	vld [tilespmem:s9+$0x10]  }
0x84: {  	s10 =	sadd.s32 s8, s10;
	v5 =	vshll.u32 v4, $0x10  }
0x85: {  	v4 =	vand.u32 $0xFFFF0000, v4;
	[tilespmem:s10+$0x0] =	vst v5  }
0x86: {  	[tilespmem:s10+$0x800] =	vst v4  }
0x87: {  	v4 =	vld [tilespmem:s0+$0x10]  }
0x88: {  	v5 =	vshll.u32 v3, $0x10  }
0x89: {  	v3 =	vand.u32 $0xFFFF0000, v3;
	[tilespmem:s5+$0x10] =	vst v5  }
0x8a: {  	[tilespmem:s5+$0x810] =	vst v3  }
0x8b: {  	v3 =	vld [tilespmem:s9+$0x20]  }
0x8c: {  	v5 =	vshll.u32 v4, $0x10  }
0x8d: {  	v4 =	vand.u32 $0xFFFF0000, v4;
	[tilespmem:s10+$0x10] =	vst v5  }
0x8e: {  	[tilespmem:s10+$0x810] =	vst v4  }
0x8f: {  	v4 =	vld [tilespmem:s0+$0x20]  }
0x90: {  	v5 =	vshll.u32 v3, $0x10  }
0x91: {  	v3 =	vand.u32 $0xFFFF0000, v3;
	[tilespmem:s5+$0x20] =	vst v5  }
0x92: {  	[tilespmem:s5+$0x820] =	vst v3  }
0x93: {  	v3 =	vld [tilespmem:s9+$0x30]  }
0x94: {  	v5 =	vshll.u32 v4, $0x10  }
0x95: {  	v4 =	vand.u32 $0xFFFF0000, v4;
	[tilespmem:s10+$0x20] =	vst v5  }
0x96: {  	[tilespmem:s10+$0x820] =	vst v4  }
0x97: {  	v4 =	vld [tilespmem:s0+$0x30]  }
0x98: {  	v5 =	vshll.u32 v3, $0x10  }
0x99: {  	v3 =	vand.u32 $0xFFFF0000, v3;
	[tilespmem:s5+$0x30] =	vst v5  }
0x9a: {  	[tilespmem:s5+$0x830] =	vst v3  }
0x9b: {  	v3 =	vld [tilespmem:s9+$0x40]  }
0x9c: {  	v5 =	vshll.u32 v4, $0x10  }
0x9d: {  	v4 =	vand.u32 $0xFFFF0000, v4;
	[tilespmem:s10+$0x30] =	vst v5  }
0x9e: {  	[tilespmem:s10+$0x830] =	vst v4  }
0x9f: {  	v4 =	vld [tilespmem:s0+$0x40]  }
0xa0: {  	v5 =	vshll.u32 v3, $0x10  }
0xa1: {  	v3 =	vand.u32 $0xFFFF0000, v3;
	[tilespmem:s5+$0x40] =	vst v5  }
0xa2: {  	[tilespmem:s5+$0x840] =	vst v3  }
0xa3: {  	v3 =	vld [tilespmem:s9+$0x50]  }
0xa4: {  	v5 =	vshll.u32 v4, $0x10  }
0xa5: {  	v4 =	vand.u32 $0xFFFF0000, v4;
	[tilespmem:s10+$0x40] =	vst v5  }
0xa6: {  	[tilespmem:s10+$0x840] =	vst v4  }
0xa7: {  	v4 =	vld [tilespmem:s0+$0x50]  }
0xa8: {  	v5 =	vshll.u32 v3, $0x10  }
0xa9: {  	v3 =	vand.u32 $0xFFFF0000, v3;
	[tilespmem:s5+$0x50] =	vst v5  }
0xaa: {  	[tilespmem:s5+$0x850] =	vst v3  }
0xab: {  	v3 =	vld [tilespmem:s9+$0x60]  }
0xac: {  	v5 =	vshll.u32 v4, $0x10  }
0xad: {  	v4 =	vand.u32 $0xFFFF0000, v4;
	[tilespmem:s10+$0x50] =	vst v5  }
0xae: {  	[tilespmem:s10+$0x850] =	vst v4  }
0xaf: {  	v4 =	vld [tilespmem:s0+$0x60]  }
0xb0: {  	v5 =	vshll.u32 v3, $0x10  }
0xb1: {  	v3 =	vand.u32 $0xFFFF0000, v3;
	[tilespmem:s5+$0x60] =	vst v5  }
0xb2: {  	[tilespmem:s5+$0x860] =	vst v3  }
0xb3: {  	v3 =	vld [tilespmem:s9+$0x70]  }
0xb4: {  	v5 =	vshll.u32 v4, $0x10  }
0xb5: {  	s14 =	simm.s32 $0x200;
	s15 =	simm.s32 $0x100;
	v4 =	vand.u32 $0xFFFF0000, v4;
	[tilespmem:s10+$0x60] =	vst v5  }
0xb6: {  	s6 =	sand.u32 $0x3FFFF800, s14;
	s8 =	sand.u32 $0x300, s15;
	[tilespmem:s10+$0x860] =	vst v4  }
0xb7: {  	s6 =	sor.u32 $0x200, s6;
	s11 =	sor.u32 $0x80, s8;
	v4 =	vld [tilespmem:s0+$0x70]  }
0xb8: {  	s13 =	sadd.s32 s11, s6;
	v5 =	vshll.u32 v3, $0x10  }
0xb9: {  	v3 =	vand.u32 $0xFFFF0000, v3;
	[tilespmem:s5+$0x70] =	vst v5;
	v5 =	vld [tilespmem:s13+$0x0]  }
0xba: {  	[tilespmem:s5+$0x870] =	vst v3  }
0xbb: {  	s12 =	simm.s32 $0x400;
	v3 =	vld [tilespmem:s9+$0x400]  }
0xbc: {  	s31 =	sadd.s32 s8, s6;
	s16 =	sand.u32 $0x3FFFF000, s12;
	v6 =	vshll.u32 v4, $0x10  }
0xbd: {  	v7 =	vld [tilespmem:s31+$0x0];
	s12 =	sadd.s32 $0x8200, s16;
	v4 =	vand.u32 $0xFFFF0000, v4;
	[tilespmem:s10+$0x70] =	vst v6  }
0xbe: {  	s6 =	sadd.s32 s11, s12;
	[tilespmem:s10+$0x870] =	vst v4;
	v4 =	vshll.u32 v5, $0x10  }
0xbf: {  	v6 =	vld [tilespmem:s0+$0x400];
	v5 =	vand.u32 $0xFFFF0000, v5;
	[tilespmem:s6+$0x0] =	vst v4  }
0xc0: {  	[tilespmem:s6+$0x800] =	vst v5;
	v4 =	vshll.u32 v3, $0x10  }
0xc1: {  	v3 =	vand.u32 $0xFFFF0000, v3;
	v5 =	vld [tilespmem:s13+$0x10];
	[tilespmem:s5+$0x400] =	vst v4  }
0xc2: {  	s8 =	sadd.s32 s8, s12;
	v4 =	vshll.u32 v7, $0x10;
	[tilespmem:s5+$0xC00] =	vst v3  }
0xc3: {  	v3 =	vand.u32 $0xFFFF0000, v7;
	[tilespmem:s8+$0x0] =	vst v4;
	v4 =	vld [tilespmem:s9+$0x410]  }
0xc4: {  	v7 =	vshll.u32 v6, $0x10;
	[tilespmem:s8+$0x800] =	vst v3  }
0xc5: {  	v3 =	vand.u32 $0xFFFF0000, v6;
	[tilespmem:s10+$0x400] =	vst v7;
	v6 =	vld [tilespmem:s31+$0x10]  }
0xc6: {  	[tilespmem:s10+$0xC00] =	vst v3;
	v7 =	vshll.u32 v5, $0x10  }
0xc7: {  	v3 =	vand.u32 $0xFFFF0000, v5;
	v5 =	vld [tilespmem:s0+$0x410];
	[tilespmem:s6+$0x10] =	vst v7  }
0xc8: {  	[tilespmem:s6+$0x810] =	vst v3;
	v3 =	vshll.u32 v4, $0x10  }
0xc9: {  	v4 =	vand.u32 $0xFFFF0000, v4;
	v7 =	vld [tilespmem:s13+$0x20];
	[tilespmem:s5+$0x410] =	vst v3  }
0xca: {  	v3 =	vshll.u32 v6, $0x10;
	[tilespmem:s5+$0xC10] =	vst v4  }
0xcb: {  	v4 =	vand.u32 $0xFFFF0000, v6;
	[tilespmem:s8+$0x10] =	vst v3;
	v3 =	vld [tilespmem:s9+$0x420]  }
0xcc: {  	[tilespmem:s8+$0x810] =	vst v4;
	v4 =	vshll.u32 v5, $0x10  }
0xcd: {  	v6 =	vld [tilespmem:s31+$0x20];
	v5 =	vand.u32 $0xFFFF0000, v5;
	[tilespmem:s10+$0x410] =	vst v4  }
0xce: {  	[tilespmem:s10+$0xC10] =	vst v5;
	v4 =	vshll.u32 v7, $0x10  }
0xcf: {  	v5 =	vand.u32 $0xFFFF0000, v7;
	[tilespmem:s6+$0x20] =	vst v4;
	v4 =	vld [tilespmem:s0+$0x420]  }
0xd0: {  	[tilespmem:s6+$0x820] =	vst v5;
	v5 =	vshll.u32 v3, $0x10  }
0xd1: {  	v3 =	vand.u32 $0xFFFF0000, v3;
	v7 =	vld [tilespmem:s13+$0x30];
	[tilespmem:s5+$0x420] =	vst v5  }
0xd2: {  	v5 =	vshll.u32 v6, $0x10;
	[tilespmem:s5+$0xC20] =	vst v3  }
0xd3: {  	v3 =	vand.u32 $0xFFFF0000, v6;
	[tilespmem:s8+$0x20] =	vst v5;
	v5 =	vld [tilespmem:s9+$0x430]  }
0xd4: {  	[tilespmem:s8+$0x820] =	vst v3;
	v3 =	vshll.u32 v4, $0x10  }
0xd5: {  	v6 =	vld [tilespmem:s31+$0x30];
	v4 =	vand.u32 $0xFFFF0000, v4;
	[tilespmem:s10+$0x420] =	vst v3  }
0xd6: {  	v3 =	vshll.u32 v7, $0x10;
	[tilespmem:s10+$0xC20] =	vst v4  }
0xd7: {  	v4 =	vand.u32 $0xFFFF0000, v7;
	[tilespmem:s6+$0x30] =	vst v3;
	v3 =	vld [tilespmem:s0+$0x430]  }
0xd8: {  	[tilespmem:s6+$0x830] =	vst v4;
	v4 =	vshll.u32 v5, $0x10  }
0xd9: {  	v5 =	vand.u32 $0xFFFF0000, v5;
	v7 =	vld [tilespmem:s13+$0x40];
	[tilespmem:s5+$0x430] =	vst v4  }
0xda: {  	v4 =	vshll.u32 v6, $0x10;
	[tilespmem:s5+$0xC30] =	vst v5  }
0xdb: {  	v5 =	vand.u32 $0xFFFF0000, v6;
	[tilespmem:s8+$0x30] =	vst v4;
	v4 =	vld [tilespmem:s9+$0x440]  }
0xdc: {  	[tilespmem:s8+$0x830] =	vst v5;
	v5 =	vshll.u32 v3, $0x10  }
0xdd: {  	v6 =	vld [tilespmem:s31+$0x40];
	v3 =	vand.u32 $0xFFFF0000, v3;
	[tilespmem:s10+$0x430] =	vst v5  }
0xde: {  	v5 =	vshll.u32 v7, $0x10;
	[tilespmem:s10+$0xC30] =	vst v3  }
0xdf: {  	v3 =	vand.u32 $0xFFFF0000, v7;
	[tilespmem:s6+$0x40] =	vst v5;
	v5 =	vld [tilespmem:s0+$0x440]  }
0xe0: {  	[tilespmem:s6+$0x840] =	vst v3;
	v3 =	vshll.u32 v4, $0x10  }
0xe1: {  	v4 =	vand.u32 $0xFFFF0000, v4;
	v7 =	vld [tilespmem:s13+$0x50];
	[tilespmem:s5+$0x440] =	vst v3  }
0xe2: {  	v3 =	vshll.u32 v6, $0x10;
	[tilespmem:s5+$0xC40] =	vst v4  }
0xe3: {  	v4 =	vand.u32 $0xFFFF0000, v6;
	[tilespmem:s8+$0x40] =	vst v3;
	v3 =	vld [tilespmem:s9+$0x450]  }
0xe4: {  	[tilespmem:s8+$0x840] =	vst v4;
	v4 =	vshll.u32 v5, $0x10  }
0xe5: {  	v6 =	vld [tilespmem:s31+$0x50];
	v5 =	vand.u32 $0xFFFF0000, v5;
	[tilespmem:s10+$0x440] =	vst v4  }
0xe6: {  	v4 =	vshll.u32 v7, $0x10;
	[tilespmem:s10+$0xC40] =	vst v5  }
0xe7: {  	v5 =	vand.u32 $0xFFFF0000, v7;
	[tilespmem:s6+$0x50] =	vst v4;
	v4 =	vld [tilespmem:s0+$0x450]  }
0xe8: {  	[tilespmem:s6+$0x850] =	vst v5;
	v5 =	vshll.u32 v3, $0x10  }
0xe9: {  	v3 =	vand.u32 $0xFFFF0000, v3;
	v7 =	vld [tilespmem:s13+$0x60];
	[tilespmem:s5+$0x450] =	vst v5  }
0xea: {  	v5 =	vshll.u32 v6, $0x10;
	[tilespmem:s5+$0xC50] =	vst v3  }
0xeb: {  	v3 =	vand.u32 $0xFFFF0000, v6;
	[tilespmem:s8+$0x50] =	vst v5;
	v5 =	vld [tilespmem:s9+$0x460]  }
0xec: {  	[tilespmem:s8+$0x850] =	vst v3;
	v3 =	vshll.u32 v4, $0x10  }
0xed: {  	v6 =	vld [tilespmem:s31+$0x60];
	v4 =	vand.u32 $0xFFFF0000, v4;
	[tilespmem:s10+$0x450] =	vst v3  }
0xee: {  	v3 =	vshll.u32 v7, $0x10;
	[tilespmem:s10+$0xC50] =	vst v4  }
0xef: {  	v4 =	vand.u32 $0xFFFF0000, v7;
	[tilespmem:s6+$0x60] =	vst v3;
	v7 =	vld [tilespmem:s0+$0x460]  }
0xf0: {  	[tilespmem:s6+$0x860] =	vst v4;
	v3 =	vshll.u32 v5, $0x10  }
0xf1: {  	v4 =	vand.u32 $0xFFFF0000, v5;
	[tilespmem:s5+$0x460] =	vst v3  }
0xf2: {  	v3 =	vshll.u32 v6, $0x10;
	v5 =	vld [tilespmem:s13+$0x70];
	[tilespmem:s5+$0xC60] =	vst v4  }
0xf3: {  	v4 =	vand.u32 $0xFFFF0000, v6;
	[tilespmem:s8+$0x60] =	vst v3  }
0xf4: {  	v3 =	vld [tilespmem:s9+$0x470];
	[tilespmem:s8+$0x860] =	vst v4;
	v4 =	vshll.u32 v7, $0x10  }
0xf5: {  	s17 =	simm.s32 $0x400;
	s12 =	simm.s32 $0x200;
	v6 =	vand.u32 $0xFFFF0000, v7;
	v7 =	vld [tilespmem:s31+$0x70];
	[tilespmem:s10+$0x460] =	vst v4  }
0xf6: {  	s14 =	sand.u32 $0x300, s12;
	s9 =	sand.u32 $0x3FFFF800, s17;
	[tilespmem:s10+$0xC60] =	vst v6  }
0xf7: {  	s18 =	sor.u32 $0x80, s14;
	s9 =	sor.u32 $0x200, s9;
	v4 =	vshll.u32 v5, $0x10;
	v6 =	vld [tilespmem:s0+$0x470]  }
0xf8: {  	v5 =	vand.u32 $0xFFFF0000, v5;
	s0 =	sadd.s32 s18, s9;
	[tilespmem:s6+$0x70] =	vst v4  }
0xf9: {  	v4 =	vand.u32 $0xFFFF0000, v3;
	[tilespmem:s6+$0x870] =	vst v5;
	v8 =	vld [tilespmem:s0+$0x0]  }
0xfa: {  	[tilespmem:s5+$0xC70] =	vst v4;
	v4 =	vshll.u32 v7, $0x10  }
0xfb: {  	s15 =	simm.s32 $0x800;
	v5 =	vand.u32 $0xFFFF0000, v7;
	[tilespmem:s8+$0x70] =	vst v4;
	v4 =	vld [tilespmem:s13+$0x400]  }
0xfc: {  	s15 =	sand.u32 $0x3FFFF000, s15;
	s9 =	sadd.s32 s14, s9;
	[tilespmem:s8+$0x870] =	vst v5;
	v5 =	vshll.u32 v6, $0x10  }
0xfd: {  	s15 =	sadd.s32 $0x8200, s15;
	v7 =	vld [tilespmem:s9+$0x0];
	v6 =	vand.u32 $0xFFFF0000, v6;
	[tilespmem:s10+$0x470] =	vst v5  }
0xfe: {  	s11 =	sadd.s32 s18, s15;
	v5 =	vshll.u32 v8, $0x10;
	[tilespmem:s10+$0xC70] =	vst v6  }
0xff: {  	v6 =	vld [tilespmem:s31+$0x400];
	v8 =	vand.u32 $0xFFFF0000, v8;
	[tilespmem:s11+$0x0] =	vst v5  }
0x100: {  	[tilespmem:s11+$0x800] =	vst v8;
	v5 =	vshll.u32 v4, $0x10  }
0x101: {  	v8 =	vld [tilespmem:s0+$0x10];
	v4 =	vand.u32 $0xFFFF0000, v4;
	[tilespmem:s6+$0x400] =	vst v5  }
0x102: {  	s10 =	sadd.s32 s14, s15;
	v5 =	vshll.u32 v7, $0x10;
	[tilespmem:s6+$0xC00] =	vst v4  }
0x103: {  	v4 =	vand.u32 $0xFFFF0000, v7;
	[tilespmem:s10+$0x0] =	vst v5;
	v5 =	vld [tilespmem:s13+$0x410]  }
0x104: {  	v7 =	vshll.u32 v6, $0x10;
	[tilespmem:s10+$0x800] =	vst v4  }
0x105: {  	v4 =	vand.u32 $0xFFFF0000, v6;
	v6 =	vld [tilespmem:s9+$0x10];
	[tilespmem:s8+$0x400] =	vst v7  }
0x106: {  	[tilespmem:s8+$0xC00] =	vst v4;
	v7 =	vshll.u32 v8, $0x10  }
0x107: {  	v4 =	vand.u32 $0xFFFF0000, v8;
	[tilespmem:s11+$0x10] =	vst v7;
	v7 =	vld [tilespmem:s31+$0x410]  }
0x108: {  	[tilespmem:s11+$0x810] =	vst v4;
	v4 =	vshll.u32 v5, $0x10  }
0x109: {  	v8 =	vld [tilespmem:s0+$0x20];
	v5 =	vand.u32 $0xFFFF0000, v5;
	[tilespmem:s6+$0x410] =	vst v4  }
0x10a: {  	v4 =	vshll.u32 v6, $0x10;
	[tilespmem:s6+$0xC10] =	vst v5  }
0x10b: {  	v5 =	vand.u32 $0xFFFF0000, v6;
	[tilespmem:s10+$0x10] =	vst v4;
	v4 =	vld [tilespmem:s13+$0x420]  }
0x10c: {  	[tilespmem:s10+$0x810] =	vst v5;
	v5 =	vshll.u32 v7, $0x10  }
0x10d: {  	v6 =	vand.u32 $0xFFFF0000, v7;
	v7 =	vld [tilespmem:s9+$0x20];
	[tilespmem:s8+$0x410] =	vst v5  }
0x10e: {  	v5 =	vshll.u32 v8, $0x10;
	[tilespmem:s8+$0xC10] =	vst v6  }
0x10f: {  	v6 =	vand.u32 $0xFFFF0000, v8;
	[tilespmem:s11+$0x20] =	vst v5;
	v5 =	vld [tilespmem:s31+$0x420]  }
0x110: {  	[tilespmem:s11+$0x820] =	vst v6;
	v6 =	vshll.u32 v4, $0x10  }
0x111: {  	v8 =	vld [tilespmem:s0+$0x30];
	v4 =	vand.u32 $0xFFFF0000, v4;
	[tilespmem:s6+$0x420] =	vst v6  }
0x112: {  	v6 =	vshll.u32 v7, $0x10;
	[tilespmem:s6+$0xC20] =	vst v4  }
0x113: {  	v4 =	vand.u32 $0xFFFF0000, v7;
	[tilespmem:s10+$0x20] =	vst v6;
	v6 =	vld [tilespmem:s13+$0x430]  }
0x114: {  	[tilespmem:s10+$0x820] =	vst v4;
	v4 =	vshll.u32 v5, $0x10  }
0x115: {  	v5 =	vand.u32 $0xFFFF0000, v5;
	v7 =	vld [tilespmem:s9+$0x30];
	[tilespmem:s8+$0x420] =	vst v4  }
0x116: {  	v4 =	vshll.u32 v8, $0x10;
	[tilespmem:s8+$0xC20] =	vst v5  }
0x117: {  	v5 =	vand.u32 $0xFFFF0000, v8;
	[tilespmem:s11+$0x30] =	vst v4;
	v4 =	vld [tilespmem:s31+$0x430]  }
0x118: {  	[tilespmem:s11+$0x830] =	vst v5;
	v5 =	vshll.u32 v6, $0x10  }
0x119: {  	v8 =	vld [tilespmem:s0+$0x40];
	v6 =	vand.u32 $0xFFFF0000, v6;
	[tilespmem:s6+$0x430] =	vst v5  }
0x11a: {  	v5 =	vshll.u32 v7, $0x10;
	[tilespmem:s6+$0xC30] =	vst v6  }
0x11b: {  	v6 =	vand.u32 $0xFFFF0000, v7;
	[tilespmem:s10+$0x30] =	vst v5;
	v5 =	vld [tilespmem:s13+$0x440]  }
0x11c: {  	[tilespmem:s10+$0x830] =	vst v6;
	v6 =	vshll.u32 v4, $0x10  }
0x11d: {  	v4 =	vand.u32 $0xFFFF0000, v4;
	v7 =	vld [tilespmem:s9+$0x40];
	[tilespmem:s8+$0x430] =	vst v6  }
0x11e: {  	v6 =	vshll.u32 v8, $0x10;
	[tilespmem:s8+$0xC30] =	vst v4  }
0x11f: {  	v4 =	vand.u32 $0xFFFF0000, v8;
	[tilespmem:s11+$0x40] =	vst v6;
	v6 =	vld [tilespmem:s31+$0x440]  }
0x120: {  	[tilespmem:s11+$0x840] =	vst v4;
	v4 =	vshll.u32 v5, $0x10  }
0x121: {  	v8 =	vld [tilespmem:s0+$0x50];
	v5 =	vand.u32 $0xFFFF0000, v5;
	[tilespmem:s6+$0x440] =	vst v4  }
0x122: {  	v4 =	vshll.u32 v7, $0x10;
	[tilespmem:s6+$0xC40] =	vst v5  }
0x123: {  	v5 =	vand.u32 $0xFFFF0000, v7;
	[tilespmem:s10+$0x40] =	vst v4;
	v4 =	vld [tilespmem:s13+$0x450]  }
0x124: {  	[tilespmem:s10+$0x840] =	vst v5;
	v5 =	vshll.u32 v6, $0x10  }
0x125: {  	v6 =	vand.u32 $0xFFFF0000, v6;
	v7 =	vld [tilespmem:s9+$0x50];
	[tilespmem:s8+$0x440] =	vst v5  }
0x126: {  	v5 =	vshll.u32 v8, $0x10;
	[tilespmem:s8+$0xC40] =	vst v6  }
0x127: {  	v6 =	vand.u32 $0xFFFF0000, v8;
	[tilespmem:s11+$0x50] =	vst v5;
	v5 =	vld [tilespmem:s31+$0x450]  }
0x128: {  	[tilespmem:s11+$0x850] =	vst v6;
	v6 =	vshll.u32 v4, $0x10  }
0x129: {  	v8 =	vld [tilespmem:s0+$0x60];
	v4 =	vand.u32 $0xFFFF0000, v4;
	[tilespmem:s6+$0x450] =	vst v6  }
0x12a: {  	v6 =	vshll.u32 v7, $0x10;
	[tilespmem:s6+$0xC50] =	vst v4  }
0x12b: {  	v4 =	vand.u32 $0xFFFF0000, v7;
	[tilespmem:s10+$0x50] =	vst v6;
	v6 =	vld [tilespmem:s13+$0x460]  }
0x12c: {  	[tilespmem:s10+$0x850] =	vst v4;
	v4 =	vshll.u32 v5, $0x10  }
0x12d: {  	v5 =	vand.u32 $0xFFFF0000, v5;
	v7 =	vld [tilespmem:s9+$0x60];
	[tilespmem:s8+$0x450] =	vst v4  }
0x12e: {  	[tilespmem:s8+$0xC50] =	vst v5;
	v5 =	vand.u32 $0xFFFF0000, v8  }
0x12f: {  	v4 =	vshll.u32 v8, $0x10;
	[tilespmem:s11+$0x860] =	vst v5;
	v5 =	vld [tilespmem:s31+$0x460]  }
0x130: {  	[tilespmem:s11+$0x60] =	vst v4;
	v4 =	vshll.u32 v6, $0x10  }
0x131: {  	v8 =	vand.u32 $0xFFFF0000, v6;
	[tilespmem:s6+$0x460] =	vst v4  }
0x132: {  	v6 =	vld [tilespmem:s0+$0x70];
	v4 =	vshll.u32 v7, $0x10;
	[tilespmem:s6+$0xC60] =	vst v8  }
0x133: {  	v3 =	vshll.u32 v3, $0x10;
	s14 =	simm.s32 $0x4;
	v7 =	vand.u32 $0xFFFF0000, v7;
	[tilespmem:s10+$0x60] =	vst v4;
	v4 =	vld [tilespmem:s13+$0x470]  }
.LBB2_3:
0x134: {  	s14 =	sadd.s32 $0x2, s14;
	[tilespmem:s10+$0x860] =	vst v7;
	v7 =	vshll.u32 v5, $0x10;
	v5 =	vand.u32 $0xFFFF0000, v5  }
0x135: {  	s12 =	sadd.s32 $0x100, s12;
	s13 =	sshll.u32 s14, $0x8;
	p1 =	slt.u32 s14, $0x3E;
	v8 =	vld [tilespmem:s9+$0x70];
	[tilespmem:s8+$0x460] =	vst v7  }
0x136: {  	s15 =	sand.u32 $0x300, s12;
	s13 =	sand.u32 $0x3FFFF800, s13;
	[tilespmem:s8+$0xC60] =	vst v5  }
0x137: {  	s16 =	sor.u32 $0x80, s15;
	s13 =	sor.u32 $0x200, s13;
	v5 =	vshll.u32 v6, $0x10;
	v7 =	vld [tilespmem:s31+$0x470];
	[tilespmem:s5+$0x470] =	vst v3;
	s31 =	smov.u32 s9  }
0x138: {  	s5 =	smov.u32 s6;
	s9 =	sadd.s32 s15, s13;
	s13 =	sadd.s32 s16, s13;
	[tilespmem:s11+$0x70] =	vst v5;
	v3 =	vshll.u32 v4, $0x10;
	v4 =	vand.u32 $0xFFFF0000, v4  }
0x139: {  	v6 =	vand.u32 $0xFFFF0000, v6;
	s6 =	smov.u32 s11;
	v5 =	vld [tilespmem:s13+$0x0];
	[tilespmem:s5+$0xC70] =	vst v4  }
0x13a: {  	v4 =	vld [tilespmem:s9+$0x0];
	v9 =	vshll.u32 v8, $0x10;
	v8 =	vand.u32 $0xFFFF0000, v8;
	[tilespmem:s6+$0x870] =	vst v6  }
0x13b: {  	s11 =	sshll.u32 s14, $0x9;
	[tilespmem:s10+$0x70] =	vst v9;
	v6 =	vld [tilespmem:s0+$0x400]  }
0x13c: {  	s11 =	sand.u32 $0x3FFFF000, s11;
	[tilespmem:s10+$0x870] =	vst v8;
	v8 =	vshll.u32 v7, $0x10;
	v7 =	vand.u32 $0xFFFF0000, v7  }
0x13d: {  	s17 =	sadd.s32 $0x8200, s11;
	v9 =	vld [tilespmem:s31+$0x400];
	[tilespmem:s8+$0x470] =	vst v8  }
0x13e: {  	s11 =	sadd.s32 s16, s17;
	v8 =	vshll.u32 v5, $0x10;
	[tilespmem:s8+$0xC70] =	vst v7;
	s8 =	smov.u32 s10;
	s10 =	sadd.s32 s15, s17  }
0x13f: {  	v5 =	vand.u32 $0xFFFF0000, v5;
	v7 =	vshll.u32 v4, $0x10;
	v4 =	vand.u32 $0xFFFF0000, v4;
	[tilespmem:s11+$0x0] =	vst v8  }
0x140: {  	[tilespmem:s11+$0x800] =	vst v5;
	v5 =	vshll.u32 v6, $0x10  }
0x141: {  	v6 =	vand.u32 $0xFFFF0000, v6;
	v8 =	vld [tilespmem:s13+$0x10];
	[tilespmem:s6+$0x400] =	vst v5  }
0x142: {  	v5 =	vshll.u32 v9, $0x10;
	v9 =	vand.u32 $0xFFFF0000, v9;
	[tilespmem:s6+$0xC00] =	vst v6  }
0x143: {  	[tilespmem:s10+$0x0] =	vst v7;
	v6 =	vld [tilespmem:s0+$0x410]  }
0x144: {  	[tilespmem:s10+$0x800] =	vst v4  }
0x145: {  	v4 =	vld [tilespmem:s9+$0x10];
	[tilespmem:s8+$0x400] =	vst v5  }
0x146: {  	v5 =	vshll.u32 v8, $0x10;
	[tilespmem:s8+$0xC00] =	vst v9  }
0x147: {  	v7 =	vand.u32 $0xFFFF0000, v8;
	[tilespmem:s11+$0x10] =	vst v5;
	v5 =	vld [tilespmem:s31+$0x410]  }
0x148: {  	[tilespmem:s11+$0x810] =	vst v7;
	v7 =	vshll.u32 v6, $0x10  }
0x149: {  	v6 =	vand.u32 $0xFFFF0000, v6;
	v8 =	vld [tilespmem:s13+$0x20];
	[tilespmem:s6+$0x410] =	vst v7  }
0x14a: {  	v7 =	vshll.u32 v4, $0x10;
	v4 =	vand.u32 $0xFFFF0000, v4;
	[tilespmem:s6+$0xC10] =	vst v6  }
0x14b: {  	[tilespmem:s10+$0x10] =	vst v7;
	v6 =	vld [tilespmem:s0+$0x420]  }
0x14c: {  	[tilespmem:s10+$0x810] =	vst v4;
	v4 =	vshll.u32 v5, $0x10;
	v5 =	vand.u32 $0xFFFF0000, v5  }
0x14d: {  	v7 =	vld [tilespmem:s9+$0x20];
	[tilespmem:s8+$0x410] =	vst v4  }
0x14e: {  	v4 =	vshll.u32 v8, $0x10;
	[tilespmem:s8+$0xC10] =	vst v5  }
0x14f: {  	v5 =	vand.u32 $0xFFFF0000, v8;
	[tilespmem:s11+$0x20] =	vst v4;
	v4 =	vld [tilespmem:s31+$0x420]  }
0x150: {  	[tilespmem:s11+$0x820] =	vst v5;
	v5 =	vshll.u32 v6, $0x10  }
0x151: {  	v6 =	vand.u32 $0xFFFF0000, v6;
	v8 =	vld [tilespmem:s13+$0x30];
	[tilespmem:s6+$0x420] =	vst v5  }
0x152: {  	v5 =	vshll.u32 v7, $0x10;
	v7 =	vand.u32 $0xFFFF0000, v7;
	[tilespmem:s6+$0xC20] =	vst v6  }
0x153: {  	[tilespmem:s10+$0x20] =	vst v5;
	v5 =	vld [tilespmem:s0+$0x430]  }
0x154: {  	[tilespmem:s10+$0x820] =	vst v7;
	v6 =	vshll.u32 v4, $0x10;
	v4 =	vand.u32 $0xFFFF0000, v4  }
0x155: {  	v7 =	vld [tilespmem:s9+$0x30];
	[tilespmem:s8+$0x420] =	vst v6  }
0x156: {  	v6 =	vshll.u32 v8, $0x10;
	[tilespmem:s8+$0xC20] =	vst v4  }
0x157: {  	v4 =	vand.u32 $0xFFFF0000, v8;
	[tilespmem:s11+$0x30] =	vst v6;
	v6 =	vld [tilespmem:s31+$0x430]  }
0x158: {  	[tilespmem:s11+$0x830] =	vst v4;
	v4 =	vshll.u32 v5, $0x10  }
0x159: {  	v5 =	vand.u32 $0xFFFF0000, v5;
	v8 =	vld [tilespmem:s13+$0x40];
	[tilespmem:s6+$0x430] =	vst v4  }
0x15a: {  	v4 =	vshll.u32 v7, $0x10;
	v7 =	vand.u32 $0xFFFF0000, v7;
	[tilespmem:s6+$0xC30] =	vst v5  }
0x15b: {  	[tilespmem:s10+$0x30] =	vst v4;
	v4 =	vld [tilespmem:s0+$0x440]  }
0x15c: {  	[tilespmem:s10+$0x830] =	vst v7;
	v5 =	vshll.u32 v6, $0x10;
	v6 =	vand.u32 $0xFFFF0000, v6  }
0x15d: {  	v7 =	vld [tilespmem:s9+$0x40];
	[tilespmem:s8+$0x430] =	vst v5  }
0x15e: {  	v5 =	vshll.u32 v8, $0x10;
	[tilespmem:s8+$0xC30] =	vst v6  }
0x15f: {  	v6 =	vand.u32 $0xFFFF0000, v8;
	[tilespmem:s11+$0x40] =	vst v5;
	v5 =	vld [tilespmem:s31+$0x440]  }
0x160: {  	[tilespmem:s11+$0x840] =	vst v6;
	v6 =	vshll.u32 v4, $0x10  }
0x161: {  	v4 =	vand.u32 $0xFFFF0000, v4;
	v8 =	vld [tilespmem:s13+$0x50];
	[tilespmem:s6+$0x440] =	vst v6  }
0x162: {  	v6 =	vshll.u32 v7, $0x10;
	v7 =	vand.u32 $0xFFFF0000, v7;
	[tilespmem:s6+$0xC40] =	vst v4  }
0x163: {  	[tilespmem:s10+$0x40] =	vst v6;
	v4 =	vld [tilespmem:s0+$0x450]  }
0x164: {  	[tilespmem:s10+$0x840] =	vst v7;
	v6 =	vshll.u32 v5, $0x10;
	v5 =	vand.u32 $0xFFFF0000, v5  }
0x165: {  	v7 =	vld [tilespmem:s9+$0x50];
	[tilespmem:s8+$0x440] =	vst v6  }
0x166: {  	v6 =	vshll.u32 v8, $0x10;
	[tilespmem:s8+$0xC40] =	vst v5  }
0x167: {  	v5 =	vand.u32 $0xFFFF0000, v8;
	[tilespmem:s11+$0x50] =	vst v6;
	v6 =	vld [tilespmem:s31+$0x450]  }
0x168: {  	[tilespmem:s11+$0x850] =	vst v5;
	v5 =	vshll.u32 v4, $0x10  }
0x169: {  	v4 =	vand.u32 $0xFFFF0000, v4;
	v8 =	vld [tilespmem:s13+$0x60];
	[tilespmem:s6+$0x450] =	vst v5  }
0x16a: {  	v5 =	vshll.u32 v7, $0x10;
	v7 =	vand.u32 $0xFFFF0000, v7;
	[tilespmem:s6+$0xC50] =	vst v4  }
0x16b: {  	[tilespmem:s10+$0x50] =	vst v5;
	v4 =	vld [tilespmem:s0+$0x460]  }
0x16c: {  	[tilespmem:s10+$0x850] =	vst v7;
	v5 =	vshll.u32 v6, $0x10;
	v6 =	vand.u32 $0xFFFF0000, v6  }
0x16d: {  	v7 =	vld [tilespmem:s9+$0x60];
	[tilespmem:s8+$0x450] =	vst v5  }
0x16e: {  	v5 =	vshll.u32 v8, $0x10;
	[tilespmem:s8+$0xC50] =	vst v6  }
.Ltmp2:
0x16f: {  	v6 =	vand.u32 $0xFFFF0000, v8;
	[tilespmem:s11+$0x60] =	vst v5;
	v5 =	vld [tilespmem:s31+$0x460];
	(pc) =	sbr.rel @p1 .LBB2_3-.Ltmp2, $4  }
0x170: {  	[tilespmem:s11+$0x860] =	vst v6;
	v6 =	vshll.u32 v4, $0x10  }
0x171: {  	v4 =	vand.u32 $0xFFFF0000, v4;
	[tilespmem:s6+$0x460] =	vst v6  }
0x172: {  	v8 =	vshll.u32 v7, $0x10;
	v7 =	vand.u32 $0xFFFF0000, v7;
	v6 =	vld [tilespmem:s13+$0x70];
	[tilespmem:s6+$0xC60] =	vst v4  }
0x173: {  	[tilespmem:s10+$0x60] =	vst v8;
	v4 =	vld [tilespmem:s0+$0x470];
	s0 =	smov.u32 s13  }
0x174: {  	[tilespmem:s10+$0x860] =	vst v7  }
0x175: {  	v7 =	vld [tilespmem:s9+$0x70];
	_ =	sdelay $0x2  }
0x176: {  	v8 =	vshll.u32 v6, $0x10  }
0x177: {  	v42 =	vand.u32 $0xFFFF0000, v6;
	[tilespmem:s11+$0x70] =	vst v8  }
0x178: {  	[tilespmem:s11+$0x870] =	vst v42;
	v43 =	vshll.u32 v7, $0x10  }
0x179: {  	v45 =	vld [tilespmem:s0+$0x400];
	v44 =	vand.u32 $0xFFFF0000, v7;
	[tilespmem:s10+$0x70] =	vst v43  }
0x17a: {  	[tilespmem:s10+$0x870] =	vst v44  }
0x17b: {  	v6 =	vld [tilespmem:s9+$0x400];
	_ =	sdelay $0x2  }
0x17c: {  	v46 =	vshll.u32 v45, $0x10  }
0x17d: {  	v7 =	vand.u32 $0xFFFF0000, v45;
	[tilespmem:s11+$0x400] =	vst v46  }
0x17e: {  	[tilespmem:s11+$0xC00] =	vst v7;
	v47 =	vshll.u32 v6, $0x10  }
0x17f: {  	v7 =	vld [tilespmem:s0+$0x410];
	v6 =	vand.u32 $0xFFFF0000, v6;
	[tilespmem:s10+$0x400] =	vst v47  }
0x180: {  	[tilespmem:s10+$0xC00] =	vst v6  }
0x181: {  	v6 =	vld [tilespmem:s9+$0x410];
	_ =	sdelay $0x2  }
0x182: {  	v48 =	vshll.u32 v7, $0x10  }
0x183: {  	v7 =	vand.u32 $0xFFFF0000, v7;
	[tilespmem:s11+$0x410] =	vst v48  }
0x184: {  	[tilespmem:s11+$0xC10] =	vst v7;
	v49 =	vshll.u32 v6, $0x10  }
0x185: {  	v8 =	vld [tilespmem:s0+$0x420];
	v6 =	vand.u32 $0xFFFF0000, v6;
	[tilespmem:s10+$0x410] =	vst v49  }
0x186: {  	[tilespmem:s10+$0xC10] =	vst v6  }
0x187: {  	v6 =	vld [tilespmem:s9+$0x420];
	_ =	sdelay $0x2  }
0x188: {  	v50 =	vshll.u32 v8, $0x10  }
0x189: {  	v8 =	vand.u32 $0xFFFF0000, v8;
	[tilespmem:s11+$0x420] =	vst v50  }
0x18a: {  	[tilespmem:s11+$0xC20] =	vst v8;
	v51 =	vshll.u32 v6, $0x10  }
0x18b: {  	v8 =	vld [tilespmem:s0+$0x430];
	v6 =	vand.u32 $0xFFFF0000, v6;
	[tilespmem:s10+$0x420] =	vst v51  }
0x18c: {  	[tilespmem:s10+$0xC20] =	vst v6  }
0x18d: {  	v6 =	vld [tilespmem:s9+$0x430];
	_ =	sdelay $0x2  }
0x18e: {  	v52 =	vshll.u32 v8, $0x10  }
0x18f: {  	v8 =	vand.u32 $0xFFFF0000, v8;
	[tilespmem:s11+$0x430] =	vst v52  }
0x190: {  	[tilespmem:s11+$0xC30] =	vst v8;
	v53 =	vshll.u32 v6, $0x10  }
0x191: {  	v8 =	vld [tilespmem:s0+$0x440];
	v6 =	vand.u32 $0xFFFF0000, v6;
	[tilespmem:s10+$0x430] =	vst v53  }
0x192: {  	[tilespmem:s10+$0xC30] =	vst v6  }
0x193: {  	v6 =	vld [tilespmem:s9+$0x440];
	_ =	sdelay $0x2  }
0x194: {  	v54 =	vshll.u32 v8, $0x10  }
0x195: {  	v8 =	vand.u32 $0xFFFF0000, v8;
	[tilespmem:s11+$0x440] =	vst v54  }
0x196: {  	[tilespmem:s11+$0xC40] =	vst v8;
	v55 =	vshll.u32 v6, $0x10  }
0x197: {  	v8 =	vld [tilespmem:s0+$0x450];
	v6 =	vand.u32 $0xFFFF0000, v6;
	[tilespmem:s10+$0x440] =	vst v55  }
0x198: {  	[tilespmem:s10+$0xC40] =	vst v6  }
0x199: {  	v6 =	vld [tilespmem:s9+$0x450];
	_ =	sdelay $0x2  }
0x19a: {  	v56 =	vshll.u32 v8, $0x10  }
0x19b: {  	v8 =	vand.u32 $0xFFFF0000, v8;
	[tilespmem:s11+$0x450] =	vst v56  }
0x19c: {  	[tilespmem:s11+$0xC50] =	vst v8;
	v57 =	vshll.u32 v6, $0x10  }
0x19d: {  	v8 =	vld [tilespmem:s0+$0x460];
	v6 =	vand.u32 $0xFFFF0000, v6;
	[tilespmem:s10+$0x450] =	vst v57  }
0x19e: {  	[tilespmem:s10+$0xC50] =	vst v6  }
0x19f: {  	v6 =	vld [tilespmem:s9+$0x460]  }
0x1a0: {  	v58 =	vshll.u32 v5, $0x10  }
0x1a1: {  	v59 =	vand.u32 $0xFFFF0000, v5;
	[tilespmem:s8+$0x460] =	vst v58  }
0x1a2: {  	[tilespmem:s8+$0xC60] =	vst v59;
	v60 =	vshll.u32 v8, $0x10  }
0x1a3: {  	v7 =	vld [tilespmem:s31+$0x470];
	v8 =	vand.u32 $0xFFFF0000, v8;
	[tilespmem:s11+$0x460] =	vst v60  }
0x1a4: {  	[tilespmem:s11+$0xC60] =	vst v8;
	v61 =	vshll.u32 v6, $0x10  }
0x1a5: {  	v6 =	vand.u32 $0xFFFF0000, v6;
	[tilespmem:s10+$0x460] =	vst v61  }
0x1a6: {  	v62 =	vld [tilespmem:s0+$0x470];
	[tilespmem:s10+$0xC60] =	vst v6  }
0x1a7: {  	[tilespmem:s5+$0x470] =	vst v3;
	v3 =	vand.u32 $0xFFFF0000, v4;
	v6 =	vld [tilespmem:s9+$0x470]  }
0x1a8: {  	[tilespmem:s6+$0xC70] =	vst v3;
	v3 =	vshll.u32 v7, $0x10  }
0x1a9: {  	v7 =	vand.u32 $0xFFFF0000, v7;
	[tilespmem:s8+$0x470] =	vst v3  }
0x1aa: {  	v3 =	vshll.u32 v4, $0x10;
	[tilespmem:s8+$0xC70] =	vst v7  }
0x1ab: {  	p1 =	sne.s32 s1, $0x3;
	[tilespmem:s6+$0x470] =	vst v3;
	v3 =	vand.u32 $0xFFFF0000, v62  }
.Ltmp3:
0x1ac: {  	[tilespmem:s11+$0xC70] =	vst v3;
	v3 =	vshll.u32 v6, $0x10;
	(pc) =	sbr.rel @p1 .LBB2_6-.Ltmp3, $4  }
0x1ad: {  	v63 =	vand.u32 $0xFFFF0000, v6;
	[tilespmem:s10+$0x470] =	vst v3  }
0x1ae: {  	s5 =	sshll.u32 s1, $0xD;
	v3 =	vshll.u32 v62, $0x10;
	[tilespmem:s10+$0xC70] =	vst v63  }
0x1af: {  	s31 =	sadd.s32 s5, s4;
	[tilespmem:s11+$0x470] =	vst v3  }
0x1b0: {  	[hbm4b:s31+s2] =	stream.linear.scatter [tilespmem:s26], [sflag:$0x3], $0x8000, $0x38;
	[tilespmem:$0x18200] =	vst v63  }
.Ltmp4:
0x1b1: {  	(pc) =	sbr.rel .LBB2_7-.Ltmp4, $4  }
0x1b2: {  	_ = 	snop  }
0x1b3: {  	_ =	swait.ge [sflag:s28], $0x4000  }
0x1b4: {  	[sflag:s28] =	ssyncset.done $0x0  }
0x1b5: {  	[sflag:s28] =	ssyncadd.s32 $0xFFFFC000  }
.LBB2_6:
0x1b6: {  	s0 =	sshll.u32 s1, $0x7  }
0x1b7: {  	s0 =	sand.u32 $0x3FFFFF80, s0  }
0x1b8: {  	v3 =	vld [tilespmem:s0+$0x80];
	_ =	sdelay $0x4  }
0x1b9: {  	v4 =	vshll.u32 v3, $0x1  }
0x1ba: {  	v3 =	vand.u32 $0x7, v3;
	v4 =	vand.u32 $0xFFFFFFF0, v4  }
0x1bb: {  	v3 =	vor.u32 v3, v4  }
0x1bc: {  	v4 =	vperm.xlane v3, v0;
	_ =	sdelay $0x1  }
0x1bd: {  	v3 =	vperm.xlane v3, v2;
	v4 =	vadd.s32 v1, v4;
	_ =	sdelay $0x1  }
0x1be: {  	v3 =	vadd.s32 v1, v3;
	_ =	sdelay $0x1  }
0x1bf: {  	s6 =	simm.s32 $0x200  }
0x1c0: {  	[tilespmem:s6], [sflag:$0x1] =	stream.indirect_vreg.gather [hbm4b:s3+s2], $0x80, v4, vm0, $0xb8;
	[tilespmem:$0x18200] =	vst v63  }
0x1c1: {  	s13 =	simm.s32 $0xA00  }
0x1c2: {  	[tilespmem:s13], [sflag:$0x1] =	stream.indirect_vreg.gather [hbm4b:s3+s2], $0x80, v3, vm0, $0xb8;
	[tilespmem:$0x18200] =	vst v63  }
0x1c3: {  	v3 =	vld [tilespmem:s0+$0x90];
	_ =	sdelay $0x4  }
0x1c4: {  	v61 =	vshll.u32 v3, $0x1  }
0x1c5: {  	v3 =	vand.u32 $0x7, v3;
	v4 =	vand.u32 $0xFFFFFFF0, v61  }
0x1c6: {  	v3 =	vor.u32 v3, v4  }
0x1c7: {  	v4 =	vperm.xlane v3, v0;
	_ =	sdelay $0x1  }
0x1c8: {  	v3 =	vperm.xlane v3, v2;
	v4 =	vadd.s32 v1, v4;
	_ =	sdelay $0x1  }
0x1c9: {  	v3 =	vadd.s32 v1, v3;
	_ =	sdelay $0x1  }
0x1ca: {  	s14 =	simm.s32 $0x1200  }
0x1cb: {  	[tilespmem:s14], [sflag:$0x1] =	stream.indirect_vreg.gather [hbm4b:s3+s2], $0x80, v4, vm0, $0xb8;
	[tilespmem:$0x18200] =	vst v63  }
0x1cc: {  	s15 =	simm.s32 $0x1A00  }
0x1cd: {  	[tilespmem:s15], [sflag:$0x1] =	stream.indirect_vreg.gather [hbm4b:s3+s2], $0x80, v3, vm0, $0xb8;
	[tilespmem:$0x18200] =	vst v63  }
0x1ce: {  	v3 =	vld [tilespmem:s0+$0xA0];
	_ =	sdelay $0x4  }
0x1cf: {  	v62 =	vshll.u32 v3, $0x1  }
0x1d0: {  	v3 =	vand.u32 $0x7, v3;
	v4 =	vand.u32 $0xFFFFFFF0, v62  }
0x1d1: {  	v3 =	vor.u32 v3, v4  }
0x1d2: {  	v4 =	vperm.xlane v3, v0;
	_ =	sdelay $0x1  }
0x1d3: {  	v3 =	vperm.xlane v3, v2;
	v4 =	vadd.s32 v1, v4;
	_ =	sdelay $0x1  }
0x1d4: {  	v3 =	vadd.s32 v1, v3;
	_ =	sdelay $0x1  }
0x1d5: {  	s16 =	simm.s32 $0x2200  }
0x1d6: {  	[tilespmem:s16], [sflag:$0x1] =	stream.indirect_vreg.gather [hbm4b:s3+s2], $0x80, v4, vm0, $0xb8;
	[tilespmem:$0x18200] =	vst v63  }
0x1d7: {  	s17 =	simm.s32 $0x2A00  }
0x1d8: {  	[tilespmem:s17], [sflag:$0x1] =	stream.indirect_vreg.gather [hbm4b:s3+s2], $0x80, v3, vm0, $0xb8;
	[tilespmem:$0x18200] =	vst v63  }
0x1d9: {  	v3 =	vld [tilespmem:s0+$0xB0];
	_ =	sdelay $0x4  }
0x1da: {  	v63 =	vshll.u32 v3, $0x1  }
0x1db: {  	v3 =	vand.u32 $0x7, v3;
	v4 =	vand.u32 $0xFFFFFFF0, v63  }
0x1dc: {  	v3 =	vor.u32 v3, v4  }
0x1dd: {  	v4 =	vperm.xlane v3, v0;
	_ =	sdelay $0x1  }
0x1de: {  	v3 =	vperm.xlane v3, v2;
	v4 =	vadd.s32 v1, v4;
	_ =	sdelay $0x1  }
0x1df: {  	v3 =	vadd.s32 v1, v3;
	_ =	sdelay $0x1  }
0x1e0: {  	s18 =	simm.s32 $0x3200  }
0x1e1: {  	[tilespmem:s18], [sflag:$0x1] =	stream.indirect_vreg.gather [hbm4b:s3+s2], $0x80, v4, vm0, $0xb8;
	[tilespmem:$0x18200] =	vst v63  }
.Ltmp5:
0x1e2: {  	s31 =	simm.s32 $0x3A00;
	(pc) =	sbr.rel @p0 .LBB2_8-.Ltmp5, $4  }
0x1e3: {  	[tilespmem:s31], [sflag:$0x1] =	stream.indirect_vreg.gather [hbm4b:s3+s2], $0x80, v3, vm0, $0xb8;
	[tilespmem:$0x18200] =	vst v63  }
0x1e4: {  	_ =	swait.ge [sflag:s28], $0x4000  }
0x1e5: {  	[sflag:s28] =	ssyncset.done $0x0  }
0x1e6: {  	[sflag:s28] =	ssyncadd.s32 $0xFFFFC000  }
.LBB2_7:
0x1e7: {  	_ =	swait.ge [sflag:s29], $0x8000  }
0x1e8: {  	[sflag:s29] =	ssyncset.done $0x0  }
0x1e9: {  	[sflag:s29] =	ssyncadd.s32 $0xFFFF8000  }
.LBB2_8:
0x1ea: {  	s0 =	simm.s32 $0x0;
	s6 =	simm.s32 $0x0  }
0x1eb: {  	s0 =	sand.u32 $0x300, s0;
	s6 =	sand.u32 $0x3FFFF800, s6  }
0x1ec: {  	s6 =	sadd.s32 $0x4200, s6;
	s8 =	sor.u32 $0x80, s0  }
0x1ed: {  	s10 =	sadd.s32 s8, s6  }
0x1ee: {  	v3 =	vld [tilespmem:s10+$0x0];
	_ =	sdelay $0x1  }
0x1ef: {  	s11 =	simm.s32 $0x0  }
0x1f0: {  	s14 =	sand.u32 $0x3FFFF000, s11;
	s9 =	sadd.s32 s0, s6  }
0x1f1: {  	s11 =	sadd.s32 $0x10200, s14;
	v4 =	vld [tilespmem:s9+$0x0]  }
0x1f2: {  	s6 =	sadd.s32 s8, s11;
	v5 =	vshll.u32 v3, $0x10  }
0x1f3: {  	v3 =	vand.u32 $0xFFFF0000, v3;
	[tilespmem:s6+$0x0] =	vst v5  }
0x1f4: {  	[tilespmem:s6+$0x800] =	vst v3  }
0x1f5: {  	v3 =	vld [tilespmem:s10+$0x10]  }
0x1f6: {  	s11 =	sadd.s32 s0, s11;
	v5 =	vshll.u32 v4, $0x10  }
0x1f7: {  	v4 =	vand.u32 $0xFFFF0000, v4;
	[tilespmem:s11+$0x0] =	vst v5  }
0x1f8: {  	[tilespmem:s11+$0x800] =	vst v4  }
0x1f9: {  	v4 =	vld [tilespmem:s9+$0x10]  }
0x1fa: {  	v5 =	vshll.u32 v3, $0x10  }
0x1fb: {  	v3 =	vand.u32 $0xFFFF0000, v3;
	[tilespmem:s6+$0x10] =	vst v5  }
0x1fc: {  	[tilespmem:s6+$0x810] =	vst v3  }
0x1fd: {  	v3 =	vld [tilespmem:s10+$0x20]  }
0x1fe: {  	v5 =	vshll.u32 v4, $0x10  }
0x1ff: {  	v4 =	vand.u32 $0xFFFF0000, v4;
	[tilespmem:s11+$0x10] =	vst v5  }
0x200: {  	[tilespmem:s11+$0x810] =	vst v4  }
0x201: {  	v4 =	vld [tilespmem:s9+$0x20]  }
0x202: {  	v5 =	vshll.u32 v3, $0x10  }
0x203: {  	v3 =	vand.u32 $0xFFFF0000, v3;
	[tilespmem:s6+$0x20] =	vst v5  }
0x204: {  	[tilespmem:s6+$0x820] =	vst v3  }
0x205: {  	v3 =	vld [tilespmem:s10+$0x30]  }
0x206: {  	v5 =	vshll.u32 v4, $0x10  }
0x207: {  	v4 =	vand.u32 $0xFFFF0000, v4;
	[tilespmem:s11+$0x20] =	vst v5  }
0x208: {  	[tilespmem:s11+$0x820] =	vst v4  }
0x209: {  	v4 =	vld [tilespmem:s9+$0x30]  }
0x20a: {  	v5 =	vshll.u32 v3, $0x10  }
0x20b: {  	v3 =	vand.u32 $0xFFFF0000, v3;
	[tilespmem:s6+$0x30] =	vst v5  }
0x20c: {  	[tilespmem:s6+$0x830] =	vst v3  }
0x20d: {  	v3 =	vld [tilespmem:s10+$0x40]  }
0x20e: {  	v5 =	vshll.u32 v4, $0x10  }
0x20f: {  	v4 =	vand.u32 $0xFFFF0000, v4;
	[tilespmem:s11+$0x30] =	vst v5  }
0x210: {  	[tilespmem:s11+$0x830] =	vst v4  }
0x211: {  	v4 =	vld [tilespmem:s9+$0x40]  }
0x212: {  	v5 =	vshll.u32 v3, $0x10  }
0x213: {  	v3 =	vand.u32 $0xFFFF0000, v3;
	[tilespmem:s6+$0x40] =	vst v5  }
0x214: {  	[tilespmem:s6+$0x840] =	vst v3  }
0x215: {  	v3 =	vld [tilespmem:s10+$0x50]  }
0x216: {  	v5 =	vshll.u32 v4, $0x10  }
0x217: {  	v4 =	vand.u32 $0xFFFF0000, v4;
	[tilespmem:s11+$0x40] =	vst v5  }
0x218: {  	[tilespmem:s11+$0x840] =	vst v4  }
0x219: {  	v4 =	vld [tilespmem:s9+$0x50]  }
0x21a: {  	v5 =	vshll.u32 v3, $0x10  }
0x21b: {  	v3 =	vand.u32 $0xFFFF0000, v3;
	[tilespmem:s6+$0x50] =	vst v5  }
0x21c: {  	[tilespmem:s6+$0x850] =	vst v3  }
0x21d: {  	v3 =	vld [tilespmem:s10+$0x60]  }
0x21e: {  	v5 =	vshll.u32 v4, $0x10  }
0x21f: {  	v4 =	vand.u32 $0xFFFF0000, v4;
	[tilespmem:s11+$0x50] =	vst v5  }
0x220: {  	[tilespmem:s11+$0x850] =	vst v4  }
0x221: {  	v4 =	vld [tilespmem:s9+$0x60]  }
0x222: {  	v5 =	vshll.u32 v3, $0x10  }
0x223: {  	v3 =	vand.u32 $0xFFFF0000, v3;
	[tilespmem:s6+$0x60] =	vst v5  }
0x224: {  	[tilespmem:s6+$0x860] =	vst v3  }
0x225: {  	v3 =	vld [tilespmem:s10+$0x70]  }
0x226: {  	v5 =	vshll.u32 v4, $0x10  }
0x227: {  	s15 =	simm.s32 $0x200;
	s16 =	simm.s32 $0x100;
	v4 =	vand.u32 $0xFFFF0000, v4;
	[tilespmem:s11+$0x60] =	vst v5  }
0x228: {  	s12 =	sand.u32 $0x300, s16;
	s0 =	sand.u32 $0x3FFFF800, s15;
	[tilespmem:s11+$0x860] =	vst v4  }
0x229: {  	s8 =	sor.u32 $0x80, s12;
	s0 =	sadd.s32 $0x4200, s0;
	v4 =	vld [tilespmem:s9+$0x70]  }
0x22a: {  	s14 =	sadd.s32 s8, s0;
	v5 =	vshll.u32 v3, $0x10  }
0x22b: {  	v3 =	vand.u32 $0xFFFF0000, v3;
	[tilespmem:s6+$0x70] =	vst v5;
	v5 =	vld [tilespmem:s14+$0x0]  }
0x22c: {  	[tilespmem:s6+$0x870] =	vst v3  }
0x22d: {  	s13 =	simm.s32 $0x400;
	v3 =	vld [tilespmem:s10+$0x400]  }
0x22e: {  	s13 =	sand.u32 $0x3FFFF000, s13;
	s0 =	sadd.s32 s12, s0;
	v6 =	vshll.u32 v4, $0x10  }
0x22f: {  	s13 =	sadd.s32 $0x10200, s13;
	v7 =	vld [tilespmem:s0+$0x0];
	v4 =	vand.u32 $0xFFFF0000, v4;
	[tilespmem:s11+$0x70] =	vst v6  }
0x230: {  	s8 =	sadd.s32 s8, s13;
	[tilespmem:s11+$0x870] =	vst v4;
	v4 =	vshll.u32 v5, $0x10  }
0x231: {  	v6 =	vld [tilespmem:s9+$0x400];
	v5 =	vand.u32 $0xFFFF0000, v5;
	[tilespmem:s8+$0x0] =	vst v4  }
0x232: {  	[tilespmem:s8+$0x800] =	vst v5;
	v4 =	vshll.u32 v3, $0x10  }
0x233: {  	v3 =	vand.u32 $0xFFFF0000, v3;
	v5 =	vld [tilespmem:s14+$0x10];
	[tilespmem:s6+$0x400] =	vst v4  }
0x234: {  	s31 =	sadd.s32 s12, s13;
	v4 =	vshll.u32 v7, $0x10;
	[tilespmem:s6+$0xC00] =	vst v3  }
0x235: {  	v3 =	vand.u32 $0xFFFF0000, v7;
	[tilespmem:s31+$0x0] =	vst v4;
	v4 =	vld [tilespmem:s10+$0x410]  }
0x236: {  	v7 =	vshll.u32 v6, $0x10;
	[tilespmem:s31+$0x800] =	vst v3  }
0x237: {  	v3 =	vand.u32 $0xFFFF0000, v6;
	[tilespmem:s11+$0x400] =	vst v7;
	v6 =	vld [tilespmem:s0+$0x10]  }
0x238: {  	[tilespmem:s11+$0xC00] =	vst v3;
	v7 =	vshll.u32 v5, $0x10  }
0x239: {  	v3 =	vand.u32 $0xFFFF0000, v5;
	v5 =	vld [tilespmem:s9+$0x410];
	[tilespmem:s8+$0x10] =	vst v7  }
0x23a: {  	[tilespmem:s8+$0x810] =	vst v3;
	v3 =	vshll.u32 v4, $0x10  }
0x23b: {  	v4 =	vand.u32 $0xFFFF0000, v4;
	v7 =	vld [tilespmem:s14+$0x20];
	[tilespmem:s6+$0x410] =	vst v3  }
0x23c: {  	v3 =	vshll.u32 v6, $0x10;
	[tilespmem:s6+$0xC10] =	vst v4  }
0x23d: {  	v4 =	vand.u32 $0xFFFF0000, v6;
	[tilespmem:s31+$0x10] =	vst v3;
	v3 =	vld [tilespmem:s10+$0x420]  }
0x23e: {  	[tilespmem:s31+$0x810] =	vst v4;
	v4 =	vshll.u32 v5, $0x10  }
0x23f: {  	v6 =	vld [tilespmem:s0+$0x20];
	v5 =	vand.u32 $0xFFFF0000, v5;
	[tilespmem:s11+$0x410] =	vst v4  }
0x240: {  	[tilespmem:s11+$0xC10] =	vst v5;
	v4 =	vshll.u32 v7, $0x10  }
0x241: {  	v5 =	vand.u32 $0xFFFF0000, v7;
	[tilespmem:s8+$0x20] =	vst v4;
	v4 =	vld [tilespmem:s9+$0x420]  }
0x242: {  	[tilespmem:s8+$0x820] =	vst v5;
	v5 =	vshll.u32 v3, $0x10  }
0x243: {  	v3 =	vand.u32 $0xFFFF0000, v3;
	v7 =	vld [tilespmem:s14+$0x30];
	[tilespmem:s6+$0x420] =	vst v5  }
0x244: {  	v5 =	vshll.u32 v6, $0x10;
	[tilespmem:s6+$0xC20] =	vst v3  }
0x245: {  	v3 =	vand.u32 $0xFFFF0000, v6;
	[tilespmem:s31+$0x20] =	vst v5;
	v5 =	vld [tilespmem:s10+$0x430]  }
0x246: {  	[tilespmem:s31+$0x820] =	vst v3;
	v3 =	vshll.u32 v4, $0x10  }
0x247: {  	v6 =	vld [tilespmem:s0+$0x30];
	v4 =	vand.u32 $0xFFFF0000, v4;
	[tilespmem:s11+$0x420] =	vst v3  }
0x248: {  	v3 =	vshll.u32 v7, $0x10;
	[tilespmem:s11+$0xC20] =	vst v4  }
0x249: {  	v4 =	vand.u32 $0xFFFF0000, v7;
	[tilespmem:s8+$0x30] =	vst v3;
	v3 =	vld [tilespmem:s9+$0x430]  }
0x24a: {  	[tilespmem:s8+$0x830] =	vst v4;
	v4 =	vshll.u32 v5, $0x10  }
0x24b: {  	v5 =	vand.u32 $0xFFFF0000, v5;
	v7 =	vld [tilespmem:s14+$0x40];
	[tilespmem:s6+$0x430] =	vst v4  }
0x24c: {  	v4 =	vshll.u32 v6, $0x10;
	[tilespmem:s6+$0xC30] =	vst v5  }
0x24d: {  	v5 =	vand.u32 $0xFFFF0000, v6;
	[tilespmem:s31+$0x30] =	vst v4;
	v4 =	vld [tilespmem:s10+$0x440]  }
0x24e: {  	[tilespmem:s31+$0x830] =	vst v5;
	v5 =	vshll.u32 v3, $0x10  }
0x24f: {  	v6 =	vld [tilespmem:s0+$0x40];
	v3 =	vand.u32 $0xFFFF0000, v3;
	[tilespmem:s11+$0x430] =	vst v5  }
0x250: {  	v5 =	vshll.u32 v7, $0x10;
	[tilespmem:s11+$0xC30] =	vst v3  }
0x251: {  	v3 =	vand.u32 $0xFFFF0000, v7;
	[tilespmem:s8+$0x40] =	vst v5;
	v5 =	vld [tilespmem:s9+$0x440]  }
0x252: {  	[tilespmem:s8+$0x840] =	vst v3;
	v3 =	vshll.u32 v4, $0x10  }
0x253: {  	v4 =	vand.u32 $0xFFFF0000, v4;
	v7 =	vld [tilespmem:s14+$0x50];
	[tilespmem:s6+$0x440] =	vst v3  }
0x254: {  	v3 =	vshll.u32 v6, $0x10;
	[tilespmem:s6+$0xC40] =	vst v4  }
0x255: {  	v4 =	vand.u32 $0xFFFF0000, v6;
	[tilespmem:s31+$0x40] =	vst v3;
	v3 =	vld [tilespmem:s10+$0x450]  }
0x256: {  	[tilespmem:s31+$0x840] =	vst v4;
	v4 =	vshll.u32 v5, $0x10  }
0x257: {  	v6 =	vld [tilespmem:s0+$0x50];
	v5 =	vand.u32 $0xFFFF0000, v5;
	[tilespmem:s11+$0x440] =	vst v4  }
0x258: {  	v4 =	vshll.u32 v7, $0x10;
	[tilespmem:s11+$0xC40] =	vst v5  }
0x259: {  	v5 =	vand.u32 $0xFFFF0000, v7;
	[tilespmem:s8+$0x50] =	vst v4;
	v4 =	vld [tilespmem:s9+$0x450]  }
0x25a: {  	[tilespmem:s8+$0x850] =	vst v5;
	v5 =	vshll.u32 v3, $0x10  }
0x25b: {  	v3 =	vand.u32 $0xFFFF0000, v3;
	v7 =	vld [tilespmem:s14+$0x60];
	[tilespmem:s6+$0x450] =	vst v5  }
0x25c: {  	v5 =	vshll.u32 v6, $0x10;
	[tilespmem:s6+$0xC50] =	vst v3  }
0x25d: {  	v3 =	vand.u32 $0xFFFF0000, v6;
	[tilespmem:s31+$0x50] =	vst v5;
	v5 =	vld [tilespmem:s10+$0x460]  }
0x25e: {  	[tilespmem:s31+$0x850] =	vst v3;
	v3 =	vshll.u32 v4, $0x10  }
0x25f: {  	v6 =	vld [tilespmem:s0+$0x60];
	v4 =	vand.u32 $0xFFFF0000, v4;
	[tilespmem:s11+$0x450] =	vst v3  }
0x260: {  	v3 =	vshll.u32 v7, $0x10;
	[tilespmem:s11+$0xC50] =	vst v4  }
0x261: {  	v4 =	vand.u32 $0xFFFF0000, v7;
	[tilespmem:s8+$0x60] =	vst v3;
	v7 =	vld [tilespmem:s9+$0x460]  }
0x262: {  	[tilespmem:s8+$0x860] =	vst v4;
	v3 =	vshll.u32 v5, $0x10  }
0x263: {  	v4 =	vand.u32 $0xFFFF0000, v5;
	[tilespmem:s6+$0x460] =	vst v3  }
0x264: {  	v3 =	vshll.u32 v6, $0x10;
	v5 =	vld [tilespmem:s14+$0x70];
	[tilespmem:s6+$0xC60] =	vst v4  }
0x265: {  	v4 =	vand.u32 $0xFFFF0000, v6;
	[tilespmem:s31+$0x60] =	vst v3  }
0x266: {  	v3 =	vld [tilespmem:s10+$0x470];
	[tilespmem:s31+$0x860] =	vst v4;
	v4 =	vshll.u32 v7, $0x10  }
0x267: {  	s17 =	simm.s32 $0x400;
	s13 =	simm.s32 $0x200;
	v6 =	vand.u32 $0xFFFF0000, v7;
	v7 =	vld [tilespmem:s0+$0x70];
	[tilespmem:s11+$0x460] =	vst v4  }
0x268: {  	s15 =	sand.u32 $0x300, s13;
	s10 =	sand.u32 $0x3FFFF800, s17;
	[tilespmem:s11+$0xC60] =	vst v6  }
0x269: {  	s18 =	sor.u32 $0x80, s15;
	s10 =	sadd.s32 $0x4200, s10;
	v4 =	vshll.u32 v5, $0x10;
	v6 =	vld [tilespmem:s9+$0x470]  }
0x26a: {  	v5 =	vand.u32 $0xFFFF0000, v5;
	s9 =	sadd.s32 s18, s10;
	[tilespmem:s8+$0x70] =	vst v4  }
0x26b: {  	v4 =	vand.u32 $0xFFFF0000, v3;
	[tilespmem:s8+$0x870] =	vst v5;
	v8 =	vld [tilespmem:s9+$0x0]  }
0x26c: {  	[tilespmem:s6+$0xC70] =	vst v4;
	v4 =	vshll.u32 v7, $0x10  }
0x26d: {  	s16 =	simm.s32 $0x800;
	v5 =	vand.u32 $0xFFFF0000, v7;
	[tilespmem:s31+$0x70] =	vst v4;
	v4 =	vld [tilespmem:s14+$0x400]  }
0x26e: {  	s16 =	sand.u32 $0x3FFFF000, s16;
	s10 =	sadd.s32 s15, s10;
	[tilespmem:s31+$0x870] =	vst v5;
	v5 =	vshll.u32 v6, $0x10  }
0x26f: {  	s16 =	sadd.s32 $0x10200, s16;
	v7 =	vld [tilespmem:s10+$0x0];
	v6 =	vand.u32 $0xFFFF0000, v6;
	[tilespmem:s11+$0x470] =	vst v5  }
0x270: {  	s12 =	sadd.s32 s18, s16;
	v5 =	vshll.u32 v8, $0x10;
	[tilespmem:s11+$0xC70] =	vst v6  }
0x271: {  	v6 =	vld [tilespmem:s0+$0x400];
	v8 =	vand.u32 $0xFFFF0000, v8;
	[tilespmem:s12+$0x0] =	vst v5  }
0x272: {  	[tilespmem:s12+$0x800] =	vst v8;
	v5 =	vshll.u32 v4, $0x10  }
0x273: {  	v8 =	vld [tilespmem:s9+$0x10];
	v4 =	vand.u32 $0xFFFF0000, v4;
	[tilespmem:s8+$0x400] =	vst v5  }
0x274: {  	s11 =	sadd.s32 s15, s16;
	v5 =	vshll.u32 v7, $0x10;
	[tilespmem:s8+$0xC00] =	vst v4  }
0x275: {  	v4 =	vand.u32 $0xFFFF0000, v7;
	[tilespmem:s11+$0x0] =	vst v5;
	v5 =	vld [tilespmem:s14+$0x410]  }
0x276: {  	v7 =	vshll.u32 v6, $0x10;
	[tilespmem:s11+$0x800] =	vst v4  }
0x277: {  	v4 =	vand.u32 $0xFFFF0000, v6;
	v6 =	vld [tilespmem:s10+$0x10];
	[tilespmem:s31+$0x400] =	vst v7  }
0x278: {  	[tilespmem:s31+$0xC00] =	vst v4;
	v7 =	vshll.u32 v8, $0x10  }
0x279: {  	v4 =	vand.u32 $0xFFFF0000, v8;
	[tilespmem:s12+$0x10] =	vst v7;
	v7 =	vld [tilespmem:s0+$0x410]  }
0x27a: {  	[tilespmem:s12+$0x810] =	vst v4;
	v4 =	vshll.u32 v5, $0x10  }
0x27b: {  	v8 =	vld [tilespmem:s9+$0x20];
	v5 =	vand.u32 $0xFFFF0000, v5;
	[tilespmem:s8+$0x410] =	vst v4  }
0x27c: {  	v4 =	vshll.u32 v6, $0x10;
	[tilespmem:s8+$0xC10] =	vst v5  }
0x27d: {  	v5 =	vand.u32 $0xFFFF0000, v6;
	[tilespmem:s11+$0x10] =	vst v4;
	v4 =	vld [tilespmem:s14+$0x420]  }
0x27e: {  	[tilespmem:s11+$0x810] =	vst v5;
	v5 =	vshll.u32 v7, $0x10  }
0x27f: {  	v6 =	vand.u32 $0xFFFF0000, v7;
	v7 =	vld [tilespmem:s10+$0x20];
	[tilespmem:s31+$0x410] =	vst v5  }
0x280: {  	v5 =	vshll.u32 v8, $0x10;
	[tilespmem:s31+$0xC10] =	vst v6  }
0x281: {  	v6 =	vand.u32 $0xFFFF0000, v8;
	[tilespmem:s12+$0x20] =	vst v5;
	v5 =	vld [tilespmem:s0+$0x420]  }
0x282: {  	[tilespmem:s12+$0x820] =	vst v6;
	v6 =	vshll.u32 v4, $0x10  }
0x283: {  	v8 =	vld [tilespmem:s9+$0x30];
	v4 =	vand.u32 $0xFFFF0000, v4;
	[tilespmem:s8+$0x420] =	vst v6  }
0x284: {  	v6 =	vshll.u32 v7, $0x10;
	[tilespmem:s8+$0xC20] =	vst v4  }
0x285: {  	v4 =	vand.u32 $0xFFFF0000, v7;
	[tilespmem:s11+$0x20] =	vst v6;
	v6 =	vld [tilespmem:s14+$0x430]  }
0x286: {  	[tilespmem:s11+$0x820] =	vst v4;
	v4 =	vshll.u32 v5, $0x10  }
0x287: {  	v5 =	vand.u32 $0xFFFF0000, v5;
	v7 =	vld [tilespmem:s10+$0x30];
	[tilespmem:s31+$0x420] =	vst v4  }
0x288: {  	v4 =	vshll.u32 v8, $0x10;
	[tilespmem:s31+$0xC20] =	vst v5  }
0x289: {  	v5 =	vand.u32 $0xFFFF0000, v8;
	[tilespmem:s12+$0x30] =	vst v4;
	v4 =	vld [tilespmem:s0+$0x430]  }
0x28a: {  	[tilespmem:s12+$0x830] =	vst v5;
	v5 =	vshll.u32 v6, $0x10  }
0x28b: {  	v8 =	vld [tilespmem:s9+$0x40];
	v6 =	vand.u32 $0xFFFF0000, v6;
	[tilespmem:s8+$0x430] =	vst v5  }
0x28c: {  	v5 =	vshll.u32 v7, $0x10;
	[tilespmem:s8+$0xC30] =	vst v6  }
0x28d: {  	v6 =	vand.u32 $0xFFFF0000, v7;
	[tilespmem:s11+$0x30] =	vst v5;
	v5 =	vld [tilespmem:s14+$0x440]  }
0x28e: {  	[tilespmem:s11+$0x830] =	vst v6;
	v6 =	vshll.u32 v4, $0x10  }
0x28f: {  	v4 =	vand.u32 $0xFFFF0000, v4;
	v7 =	vld [tilespmem:s10+$0x40];
	[tilespmem:s31+$0x430] =	vst v6  }
0x290: {  	v6 =	vshll.u32 v8, $0x10;
	[tilespmem:s31+$0xC30] =	vst v4  }
0x291: {  	v4 =	vand.u32 $0xFFFF0000, v8;
	[tilespmem:s12+$0x40] =	vst v6;
	v6 =	vld [tilespmem:s0+$0x440]  }
0x292: {  	[tilespmem:s12+$0x840] =	vst v4;
	v4 =	vshll.u32 v5, $0x10  }
0x293: {  	v8 =	vld [tilespmem:s9+$0x50];
	v5 =	vand.u32 $0xFFFF0000, v5;
	[tilespmem:s8+$0x440] =	vst v4  }
0x294: {  	v4 =	vshll.u32 v7, $0x10;
	[tilespmem:s8+$0xC40] =	vst v5  }
0x295: {  	v5 =	vand.u32 $0xFFFF0000, v7;
	[tilespmem:s11+$0x40] =	vst v4;
	v4 =	vld [tilespmem:s14+$0x450]  }
0x296: {  	[tilespmem:s11+$0x840] =	vst v5;
	v5 =	vshll.u32 v6, $0x10  }
0x297: {  	v6 =	vand.u32 $0xFFFF0000, v6;
	v7 =	vld [tilespmem:s10+$0x50];
	[tilespmem:s31+$0x440] =	vst v5  }
0x298: {  	v5 =	vshll.u32 v8, $0x10;
	[tilespmem:s31+$0xC40] =	vst v6  }
0x299: {  	v6 =	vand.u32 $0xFFFF0000, v8;
	[tilespmem:s12+$0x50] =	vst v5;
	v5 =	vld [tilespmem:s0+$0x450]  }
0x29a: {  	[tilespmem:s12+$0x850] =	vst v6;
	v6 =	vshll.u32 v4, $0x10  }
0x29b: {  	v8 =	vld [tilespmem:s9+$0x60];
	v4 =	vand.u32 $0xFFFF0000, v4;
	[tilespmem:s8+$0x450] =	vst v6  }
0x29c: {  	v6 =	vshll.u32 v7, $0x10;
	[tilespmem:s8+$0xC50] =	vst v4  }
0x29d: {  	v4 =	vand.u32 $0xFFFF0000, v7;
	[tilespmem:s11+$0x50] =	vst v6;
	v6 =	vld [tilespmem:s14+$0x460]  }
0x29e: {  	[tilespmem:s11+$0x850] =	vst v4;
	v4 =	vshll.u32 v5, $0x10  }
0x29f: {  	v5 =	vand.u32 $0xFFFF0000, v5;
	v7 =	vld [tilespmem:s10+$0x60];
	[tilespmem:s31+$0x450] =	vst v4  }
0x2a0: {  	[tilespmem:s31+$0xC50] =	vst v5;
	v5 =	vand.u32 $0xFFFF0000, v8  }
0x2a1: {  	v4 =	vshll.u32 v8, $0x10;
	[tilespmem:s12+$0x860] =	vst v5;
	v5 =	vld [tilespmem:s0+$0x460]  }
0x2a2: {  	[tilespmem:s12+$0x60] =	vst v4;
	v4 =	vshll.u32 v6, $0x10  }
0x2a3: {  	v8 =	vand.u32 $0xFFFF0000, v6;
	[tilespmem:s8+$0x460] =	vst v4  }
0x2a4: {  	v6 =	vld [tilespmem:s9+$0x70];
	v4 =	vshll.u32 v7, $0x10;
	[tilespmem:s8+$0xC60] =	vst v8  }
0x2a5: {  	v3 =	vshll.u32 v3, $0x10;
	s15 =	simm.s32 $0x4;
	v7 =	vand.u32 $0xFFFF0000, v7;
	[tilespmem:s11+$0x60] =	vst v4;
	v4 =	vld [tilespmem:s14+$0x470]  }
.LBB2_9:
0x2a6: {  	s15 =	sadd.s32 $0x2, s15;
	[tilespmem:s11+$0x860] =	vst v7;
	v7 =	vshll.u32 v5, $0x10;
	v5 =	vand.u32 $0xFFFF0000, v5  }
0x2a7: {  	s13 =	sadd.s32 $0x100, s13;
	s14 =	sshll.u32 s15, $0x8;
	p0 =	slt.u32 s15, $0x3E;
	v8 =	vld [tilespmem:s10+$0x70];
	[tilespmem:s31+$0x460] =	vst v7  }
0x2a8: {  	s16 =	sand.u32 $0x300, s13;
	s14 =	sand.u32 $0x3FFFF800, s14;
	[tilespmem:s31+$0xC60] =	vst v5  }
0x2a9: {  	s17 =	sor.u32 $0x80, s16;
	s14 =	sadd.s32 $0x4200, s14;
	v5 =	vshll.u32 v6, $0x10;
	v7 =	vld [tilespmem:s0+$0x470];
	[tilespmem:s6+$0x470] =	vst v3;
	s0 =	smov.u32 s10  }
0x2aa: {  	s6 =	smov.u32 s8;
	s10 =	sadd.s32 s16, s14;
	s14 =	sadd.s32 s17, s14;
	[tilespmem:s12+$0x70] =	vst v5;
	v3 =	vshll.u32 v4, $0x10;
	v4 =	vand.u32 $0xFFFF0000, v4  }
0x2ab: {  	v6 =	vand.u32 $0xFFFF0000, v6;
	s8 =	smov.u32 s12;
	v5 =	vld [tilespmem:s14+$0x0];
	[tilespmem:s6+$0xC70] =	vst v4  }
0x2ac: {  	v4 =	vld [tilespmem:s10+$0x0];
	v9 =	vshll.u32 v8, $0x10;
	v8 =	vand.u32 $0xFFFF0000, v8;
	[tilespmem:s8+$0x870] =	vst v6  }
0x2ad: {  	s12 =	sshll.u32 s15, $0x9;
	[tilespmem:s11+$0x70] =	vst v9;
	v6 =	vld [tilespmem:s9+$0x400]  }
0x2ae: {  	s12 =	sand.u32 $0x3FFFF000, s12;
	[tilespmem:s11+$0x870] =	vst v8;
	v8 =	vshll.u32 v7, $0x10;
	v7 =	vand.u32 $0xFFFF0000, v7  }
0x2af: {  	s18 =	sadd.s32 $0x10200, s12;
	v9 =	vld [tilespmem:s0+$0x400];
	[tilespmem:s31+$0x470] =	vst v8  }
0x2b0: {  	s12 =	sadd.s32 s17, s18;
	v8 =	vshll.u32 v5, $0x10;
	[tilespmem:s31+$0xC70] =	vst v7;
	s31 =	smov.u32 s11;
	s11 =	sadd.s32 s16, s18  }
0x2b1: {  	v5 =	vand.u32 $0xFFFF0000, v5;
	v7 =	vshll.u32 v4, $0x10;
	v4 =	vand.u32 $0xFFFF0000, v4;
	[tilespmem:s12+$0x0] =	vst v8  }
0x2b2: {  	[tilespmem:s12+$0x800] =	vst v5;
	v5 =	vshll.u32 v6, $0x10  }
0x2b3: {  	v6 =	vand.u32 $0xFFFF0000, v6;
	v8 =	vld [tilespmem:s14+$0x10];
	[tilespmem:s8+$0x400] =	vst v5  }
0x2b4: {  	v5 =	vshll.u32 v9, $0x10;
	v9 =	vand.u32 $0xFFFF0000, v9;
	[tilespmem:s8+$0xC00] =	vst v6  }
0x2b5: {  	[tilespmem:s11+$0x0] =	vst v7;
	v6 =	vld [tilespmem:s9+$0x410]  }
0x2b6: {  	[tilespmem:s11+$0x800] =	vst v4  }
0x2b7: {  	v4 =	vld [tilespmem:s10+$0x10];
	[tilespmem:s31+$0x400] =	vst v5  }
0x2b8: {  	v5 =	vshll.u32 v8, $0x10;
	[tilespmem:s31+$0xC00] =	vst v9  }
0x2b9: {  	v7 =	vand.u32 $0xFFFF0000, v8;
	[tilespmem:s12+$0x10] =	vst v5;
	v5 =	vld [tilespmem:s0+$0x410]  }
0x2ba: {  	[tilespmem:s12+$0x810] =	vst v7;
	v7 =	vshll.u32 v6, $0x10  }
0x2bb: {  	v6 =	vand.u32 $0xFFFF0000, v6;
	v8 =	vld [tilespmem:s14+$0x20];
	[tilespmem:s8+$0x410] =	vst v7  }
0x2bc: {  	v7 =	vshll.u32 v4, $0x10;
	v4 =	vand.u32 $0xFFFF0000, v4;
	[tilespmem:s8+$0xC10] =	vst v6  }
0x2bd: {  	[tilespmem:s11+$0x10] =	vst v7;
	v6 =	vld [tilespmem:s9+$0x420]  }
0x2be: {  	[tilespmem:s11+$0x810] =	vst v4;
	v4 =	vshll.u32 v5, $0x10;
	v5 =	vand.u32 $0xFFFF0000, v5  }
0x2bf: {  	v7 =	vld [tilespmem:s10+$0x20];
	[tilespmem:s31+$0x410] =	vst v4  }
0x2c0: {  	v4 =	vshll.u32 v8, $0x10;
	[tilespmem:s31+$0xC10] =	vst v5  }
0x2c1: {  	v5 =	vand.u32 $0xFFFF0000, v8;
	[tilespmem:s12+$0x20] =	vst v4;
	v4 =	vld [tilespmem:s0+$0x420]  }
0x2c2: {  	[tilespmem:s12+$0x820] =	vst v5;
	v5 =	vshll.u32 v6, $0x10  }
0x2c3: {  	v6 =	vand.u32 $0xFFFF0000, v6;
	v8 =	vld [tilespmem:s14+$0x30];
	[tilespmem:s8+$0x420] =	vst v5  }
0x2c4: {  	v5 =	vshll.u32 v7, $0x10;
	v7 =	vand.u32 $0xFFFF0000, v7;
	[tilespmem:s8+$0xC20] =	vst v6  }
0x2c5: {  	[tilespmem:s11+$0x20] =	vst v5;
	v5 =	vld [tilespmem:s9+$0x430]  }
0x2c6: {  	[tilespmem:s11+$0x820] =	vst v7;
	v6 =	vshll.u32 v4, $0x10;
	v4 =	vand.u32 $0xFFFF0000, v4  }
0x2c7: {  	v7 =	vld [tilespmem:s10+$0x30];
	[tilespmem:s31+$0x420] =	vst v6  }
0x2c8: {  	v6 =	vshll.u32 v8, $0x10;
	[tilespmem:s31+$0xC20] =	vst v4  }
0x2c9: {  	v4 =	vand.u32 $0xFFFF0000, v8;
	[tilespmem:s12+$0x30] =	vst v6;
	v6 =	vld [tilespmem:s0+$0x430]  }
0x2ca: {  	[tilespmem:s12+$0x830] =	vst v4;
	v4 =	vshll.u32 v5, $0x10  }
0x2cb: {  	v5 =	vand.u32 $0xFFFF0000, v5;
	v8 =	vld [tilespmem:s14+$0x40];
	[tilespmem:s8+$0x430] =	vst v4  }
0x2cc: {  	v4 =	vshll.u32 v7, $0x10;
	v7 =	vand.u32 $0xFFFF0000, v7;
	[tilespmem:s8+$0xC30] =	vst v5  }
0x2cd: {  	[tilespmem:s11+$0x30] =	vst v4;
	v4 =	vld [tilespmem:s9+$0x440]  }
0x2ce: {  	[tilespmem:s11+$0x830] =	vst v7;
	v5 =	vshll.u32 v6, $0x10;
	v6 =	vand.u32 $0xFFFF0000, v6  }
0x2cf: {  	v7 =	vld [tilespmem:s10+$0x40];
	[tilespmem:s31+$0x430] =	vst v5  }
0x2d0: {  	v5 =	vshll.u32 v8, $0x10;
	[tilespmem:s31+$0xC30] =	vst v6  }
0x2d1: {  	v6 =	vand.u32 $0xFFFF0000, v8;
	[tilespmem:s12+$0x40] =	vst v5;
	v5 =	vld [tilespmem:s0+$0x440]  }
0x2d2: {  	[tilespmem:s12+$0x840] =	vst v6;
	v6 =	vshll.u32 v4, $0x10  }
0x2d3: {  	v4 =	vand.u32 $0xFFFF0000, v4;
	v8 =	vld [tilespmem:s14+$0x50];
	[tilespmem:s8+$0x440] =	vst v6  }
0x2d4: {  	v6 =	vshll.u32 v7, $0x10;
	v7 =	vand.u32 $0xFFFF0000, v7;
	[tilespmem:s8+$0xC40] =	vst v4  }
0x2d5: {  	[tilespmem:s11+$0x40] =	vst v6;
	v4 =	vld [tilespmem:s9+$0x450]  }
0x2d6: {  	[tilespmem:s11+$0x840] =	vst v7;
	v6 =	vshll.u32 v5, $0x10;
	v5 =	vand.u32 $0xFFFF0000, v5  }
0x2d7: {  	v7 =	vld [tilespmem:s10+$0x50];
	[tilespmem:s31+$0x440] =	vst v6  }
0x2d8: {  	v6 =	vshll.u32 v8, $0x10;
	[tilespmem:s31+$0xC40] =	vst v5  }
0x2d9: {  	v5 =	vand.u32 $0xFFFF0000, v8;
	[tilespmem:s12+$0x50] =	vst v6;
	v6 =	vld [tilespmem:s0+$0x450]  }
0x2da: {  	[tilespmem:s12+$0x850] =	vst v5;
	v5 =	vshll.u32 v4, $0x10  }
0x2db: {  	v4 =	vand.u32 $0xFFFF0000, v4;
	v8 =	vld [tilespmem:s14+$0x60];
	[tilespmem:s8+$0x450] =	vst v5  }
0x2dc: {  	v5 =	vshll.u32 v7, $0x10;
	v7 =	vand.u32 $0xFFFF0000, v7;
	[tilespmem:s8+$0xC50] =	vst v4  }
0x2dd: {  	[tilespmem:s11+$0x50] =	vst v5;
	v4 =	vld [tilespmem:s9+$0x460]  }
0x2de: {  	[tilespmem:s11+$0x850] =	vst v7;
	v5 =	vshll.u32 v6, $0x10;
	v6 =	vand.u32 $0xFFFF0000, v6  }
0x2df: {  	v7 =	vld [tilespmem:s10+$0x60];
	[tilespmem:s31+$0x450] =	vst v5  }
0x2e0: {  	v5 =	vshll.u32 v8, $0x10;
	[tilespmem:s31+$0xC50] =	vst v6  }
.Ltmp6:
0x2e1: {  	v6 =	vand.u32 $0xFFFF0000, v8;
	[tilespmem:s12+$0x60] =	vst v5;
	v5 =	vld [tilespmem:s0+$0x460];
	(pc) =	sbr.rel @p0 .LBB2_9-.Ltmp6, $4  }
0x2e2: {  	[tilespmem:s12+$0x860] =	vst v6;
	v6 =	vshll.u32 v4, $0x10  }
0x2e3: {  	v4 =	vand.u32 $0xFFFF0000, v4;
	[tilespmem:s8+$0x460] =	vst v6  }
0x2e4: {  	v8 =	vshll.u32 v7, $0x10;
	v7 =	vand.u32 $0xFFFF0000, v7;
	v6 =	vld [tilespmem:s14+$0x70];
	[tilespmem:s8+$0xC60] =	vst v4  }
0x2e5: {  	[tilespmem:s11+$0x60] =	vst v8;
	v4 =	vld [tilespmem:s9+$0x470];
	s9 =	smov.u32 s14  }
0x2e6: {  	[tilespmem:s11+$0x860] =	vst v7  }
0x2e7: {  	v7 =	vld [tilespmem:s10+$0x70];
	_ =	sdelay $0x2  }
0x2e8: {  	v8 =	vshll.u32 v6, $0x10  }
0x2e9: {  	v42 =	vand.u32 $0xFFFF0000, v6;
	[tilespmem:s12+$0x70] =	vst v8  }
0x2ea: {  	[tilespmem:s12+$0x870] =	vst v42;
	v43 =	vshll.u32 v7, $0x10  }
0x2eb: {  	v45 =	vld [tilespmem:s9+$0x400];
	v44 =	vand.u32 $0xFFFF0000, v7;
	[tilespmem:s11+$0x70] =	vst v43  }
0x2ec: {  	[tilespmem:s11+$0x870] =	vst v44  }
0x2ed: {  	v6 =	vld [tilespmem:s10+$0x400];
	_ =	sdelay $0x2  }
0x2ee: {  	v46 =	vshll.u32 v45, $0x10  }
0x2ef: {  	v7 =	vand.u32 $0xFFFF0000, v45;
	[tilespmem:s12+$0x400] =	vst v46  }
0x2f0: {  	[tilespmem:s12+$0xC00] =	vst v7;
	v47 =	vshll.u32 v6, $0x10  }
0x2f1: {  	v7 =	vld [tilespmem:s9+$0x410];
	v6 =	vand.u32 $0xFFFF0000, v6;
	[tilespmem:s11+$0x400] =	vst v47  }
0x2f2: {  	[tilespmem:s11+$0xC00] =	vst v6  }
0x2f3: {  	v6 =	vld [tilespmem:s10+$0x410];
	_ =	sdelay $0x2  }
0x2f4: {  	v48 =	vshll.u32 v7, $0x10  }
0x2f5: {  	v7 =	vand.u32 $0xFFFF0000, v7;
	[tilespmem:s12+$0x410] =	vst v48  }
0x2f6: {  	[tilespmem:s12+$0xC10] =	vst v7;
	v49 =	vshll.u32 v6, $0x10  }
0x2f7: {  	v8 =	vld [tilespmem:s9+$0x420];
	v6 =	vand.u32 $0xFFFF0000, v6;
	[tilespmem:s11+$0x410] =	vst v49  }
0x2f8: {  	[tilespmem:s11+$0xC10] =	vst v6  }
0x2f9: {  	v6 =	vld [tilespmem:s10+$0x420];
	_ =	sdelay $0x2  }
0x2fa: {  	v50 =	vshll.u32 v8, $0x10  }
0x2fb: {  	v8 =	vand.u32 $0xFFFF0000, v8;
	[tilespmem:s12+$0x420] =	vst v50  }
0x2fc: {  	[tilespmem:s12+$0xC20] =	vst v8;
	v51 =	vshll.u32 v6, $0x10  }
0x2fd: {  	v8 =	vld [tilespmem:s9+$0x430];
	v6 =	vand.u32 $0xFFFF0000, v6;
	[tilespmem:s11+$0x420] =	vst v51  }
0x2fe: {  	[tilespmem:s11+$0xC20] =	vst v6  }
0x2ff: {  	v6 =	vld [tilespmem:s10+$0x430];
	_ =	sdelay $0x2  }
0x300: {  	v52 =	vshll.u32 v8, $0x10  }
0x301: {  	v8 =	vand.u32 $0xFFFF0000, v8;
	[tilespmem:s12+$0x430] =	vst v52  }
0x302: {  	[tilespmem:s12+$0xC30] =	vst v8;
	v53 =	vshll.u32 v6, $0x10  }
0x303: {  	v8 =	vld [tilespmem:s9+$0x440];
	v6 =	vand.u32 $0xFFFF0000, v6;
	[tilespmem:s11+$0x430] =	vst v53  }
0x304: {  	[tilespmem:s11+$0xC30] =	vst v6  }
0x305: {  	v6 =	vld [tilespmem:s10+$0x440];
	_ =	sdelay $0x2  }
0x306: {  	v54 =	vshll.u32 v8, $0x10  }
0x307: {  	v8 =	vand.u32 $0xFFFF0000, v8;
	[tilespmem:s12+$0x440] =	vst v54  }
0x308: {  	[tilespmem:s12+$0xC40] =	vst v8;
	v55 =	vshll.u32 v6, $0x10  }
0x309: {  	v8 =	vld [tilespmem:s9+$0x450];
	v6 =	vand.u32 $0xFFFF0000, v6;
	[tilespmem:s11+$0x440] =	vst v55  }
0x30a: {  	[tilespmem:s11+$0xC40] =	vst v6  }
0x30b: {  	v6 =	vld [tilespmem:s10+$0x450];
	_ =	sdelay $0x2  }
0x30c: {  	v56 =	vshll.u32 v8, $0x10  }
0x30d: {  	v8 =	vand.u32 $0xFFFF0000, v8;
	[tilespmem:s12+$0x450] =	vst v56  }
0x30e: {  	[tilespmem:s12+$0xC50] =	vst v8;
	v57 =	vshll.u32 v6, $0x10  }
0x30f: {  	v8 =	vld [tilespmem:s9+$0x460];
	v6 =	vand.u32 $0xFFFF0000, v6;
	[tilespmem:s11+$0x450] =	vst v57  }
0x310: {  	[tilespmem:s11+$0xC50] =	vst v6  }
0x311: {  	v6 =	vld [tilespmem:s10+$0x460]  }
0x312: {  	v58 =	vshll.u32 v5, $0x10  }
0x313: {  	v59 =	vand.u32 $0xFFFF0000, v5;
	[tilespmem:s31+$0x460] =	vst v58  }
0x314: {  	[tilespmem:s31+$0xC60] =	vst v59;
	v60 =	vshll.u32 v8, $0x10  }
0x315: {  	v7 =	vld [tilespmem:s0+$0x470];
	v8 =	vand.u32 $0xFFFF0000, v8;
	[tilespmem:s12+$0x460] =	vst v60  }
0x316: {  	[tilespmem:s12+$0xC60] =	vst v8;
	v61 =	vshll.u32 v6, $0x10  }
0x317: {  	v6 =	vand.u32 $0xFFFF0000, v6;
	[tilespmem:s11+$0x460] =	vst v61  }
0x318: {  	v62 =	vld [tilespmem:s9+$0x470];
	[tilespmem:s11+$0xC60] =	vst v6  }
0x319: {  	[tilespmem:s6+$0x470] =	vst v3;
	v3 =	vand.u32 $0xFFFF0000, v4;
	v6 =	vld [tilespmem:s10+$0x470]  }
0x31a: {  	[tilespmem:s8+$0xC70] =	vst v3;
	v3 =	vshll.u32 v7, $0x10  }
0x31b: {  	v7 =	vand.u32 $0xFFFF0000, v7;
	[tilespmem:s31+$0x470] =	vst v3  }
0x31c: {  	v3 =	vshll.u32 v4, $0x10;
	[tilespmem:s31+$0xC70] =	vst v7  }
0x31d: {  	p0 =	seq.s32 s1, $0x3;
	[tilespmem:s8+$0x470] =	vst v3;
	v3 =	vand.u32 $0xFFFF0000, v62  }
.Ltmp7:
0x31e: {  	[tilespmem:s12+$0xC70] =	vst v3;
	v3 =	vshll.u32 v6, $0x10;
	(pc) =	sbr.rel @p0 .LBB2_12-.Ltmp7, $4  }
0x31f: {  	v63 =	vand.u32 $0xFFFF0000, v6;
	[tilespmem:s11+$0x470] =	vst v3  }
0x320: {  	v3 =	vshll.u32 v62, $0x10;
	[tilespmem:s11+$0xC70] =	vst v63  }
0x321: {  	s31 =	sadd.s32 s7, s5;
	[tilespmem:s12+$0x470] =	vst v3  }
0x322: {  	[hbm4b:s31+s2] =	stream.linear.scatter [tilespmem:s30], [sflag:$0x4], $0x8000, $0x38;
	[tilespmem:$0x18200] =	vst v63  }
0x323: {  	s0 =	sshll.u32 s1, $0x7  }
0x324: {  	s0 =	sand.u32 $0x3FFFFF80, s0  }
0x325: {  	v3 =	vld [tilespmem:s0+$0xC0];
	_ =	sdelay $0x4  }
0x326: {  	v4 =	vshll.u32 v3, $0x1  }
0x327: {  	v3 =	vand.u32 $0x7, v3;
	v4 =	vand.u32 $0xFFFFFFF0, v4  }
0x328: {  	v3 =	vor.u32 v3, v4  }
0x329: {  	v4 =	vperm.xlane v3, v0;
	_ =	sdelay $0x1  }
0x32a: {  	v3 =	vperm.xlane v3, v2;
	v4 =	vadd.s32 v1, v4;
	_ =	sdelay $0x1  }
0x32b: {  	v3 =	vadd.s32 v1, v3;
	_ =	sdelay $0x1  }
0x32c: {  	s5 =	simm.s32 $0x4200  }
0x32d: {  	[tilespmem:s5], [sflag:$0x2] =	stream.indirect_vreg.gather [hbm4b:s3+s2], $0x80, v4, vm0, $0xb8;
	[tilespmem:$0x18200] =	vst v63  }
0x32e: {  	s31 =	simm.s32 $0x4A00  }
0x32f: {  	[tilespmem:s31], [sflag:$0x2] =	stream.indirect_vreg.gather [hbm4b:s3+s2], $0x80, v3, vm0, $0xb8;
	[tilespmem:$0x18200] =	vst v63  }
0x330: {  	v3 =	vld [tilespmem:s0+$0xD0];
	_ =	sdelay $0x4  }
0x331: {  	v61 =	vshll.u32 v3, $0x1  }
0x332: {  	v3 =	vand.u32 $0x7, v3;
	v4 =	vand.u32 $0xFFFFFFF0, v61  }
0x333: {  	v3 =	vor.u32 v3, v4  }
0x334: {  	v4 =	vperm.xlane v3, v0;
	_ =	sdelay $0x1  }
0x335: {  	v3 =	vperm.xlane v3, v2;
	v4 =	vadd.s32 v1, v4;
	_ =	sdelay $0x1  }
0x336: {  	v3 =	vadd.s32 v1, v3;
	_ =	sdelay $0x2  }
0x337: {  	[tilespmem:s19], [sflag:$0x2] =	stream.indirect_vreg.gather [hbm4b:s3+s2], $0x80, v4, vm0, $0xb8;
	[tilespmem:$0x18200] =	vst v63  }
0x338: {  	_ = 	snop  }
0x339: {  	[tilespmem:s20], [sflag:$0x2] =	stream.indirect_vreg.gather [hbm4b:s3+s2], $0x80, v3, vm0, $0xb8;
	[tilespmem:$0x18200] =	vst v63  }
0x33a: {  	v3 =	vld [tilespmem:s0+$0xE0];
	_ =	sdelay $0x4  }
0x33b: {  	v62 =	vshll.u32 v3, $0x1  }
0x33c: {  	v3 =	vand.u32 $0x7, v3;
	v4 =	vand.u32 $0xFFFFFFF0, v62  }
0x33d: {  	v3 =	vor.u32 v3, v4  }
0x33e: {  	v4 =	vperm.xlane v3, v0;
	_ =	sdelay $0x1  }
0x33f: {  	v3 =	vperm.xlane v3, v2;
	v4 =	vadd.s32 v1, v4;
	_ =	sdelay $0x1  }
0x340: {  	v3 =	vadd.s32 v1, v3;
	_ =	sdelay $0x2  }
0x341: {  	[tilespmem:s21], [sflag:$0x2] =	stream.indirect_vreg.gather [hbm4b:s3+s2], $0x80, v4, vm0, $0xb8;
	[tilespmem:$0x18200] =	vst v63  }
0x342: {  	_ = 	snop  }
0x343: {  	[tilespmem:s22], [sflag:$0x2] =	stream.indirect_vreg.gather [hbm4b:s3+s2], $0x80, v3, vm0, $0xb8;
	[tilespmem:$0x18200] =	vst v63  }
0x344: {  	v3 =	vld [tilespmem:s0+$0xF0];
	_ =	sdelay $0x4  }
0x345: {  	v63 =	vshll.u32 v3, $0x1  }
0x346: {  	v3 =	vand.u32 $0x7, v3;
	v4 =	vand.u32 $0xFFFFFFF0, v63  }
0x347: {  	v3 =	vor.u32 v3, v4  }
0x348: {  	v4 =	vperm.xlane v3, v0;
	_ =	sdelay $0x1  }
0x349: {  	v3 =	vperm.xlane v3, v2;
	v4 =	vadd.s32 v1, v4;
	_ =	sdelay $0x1  }
0x34a: {  	v3 =	vadd.s32 v1, v3  }
.Ltmp8:
0x34b: {  	_ = 	snop;
	(pc) =	sbr.rel .LBB2_2-.Ltmp8, $4  }
0x34c: {  	_ = 	snop  }
0x34d: {  	[tilespmem:s23], [sflag:$0x2] =	stream.indirect_vreg.gather [hbm4b:s3+s2], $0x80, v4, vm0, $0xb8;
	[tilespmem:$0x18200] =	vst v63  }
0x34e: {  	s1 =	sadd.s32 $0x1, s1  }
0x34f: {  	[tilespmem:s24], [sflag:$0x2] =	stream.indirect_vreg.gather [hbm4b:s3+s2], $0x80, v3, vm0, $0xb8;
	[tilespmem:$0x18200] =	vst v63  }
.LBB2_13:
0x350: {  	_ =	sfence.sel $0x180000  }
0x351: {  	[bflag:$0x0] =	sbarrier.arrive $0xFFFF  }
0x352: {  	_ =	strace $0x90000047  }
0x353: {  	s0 =	stileid.u32;
	[bflag:$0x2] =	sbarrier.arrive $0xFFFF  }
0x354: {  	p0 =	sne.s32 s0, $0x0;
	s0 =	rddreg [dreg:$0x3]  }
0x355: {  	s0 =	sadd.s32 @!p0 $0x100000, s0  }
0x356: {  	[sflag:s0] =	ssyncadd.tile.s32 @!p0 $0x1;
	_ =	shalt  }
.Lfunc_end2:
_tile_overlayer_lowered:
.L_overlay_start_2:
0x357: {  	(tag) =	ssettag $0x2  }
0x358: {  	s0 =	rddreg [dreg:$0x0];
	s2 =	stileid.u32  }
0x359: {  	s1 =	rddreg [dreg:$0x1];
	p0 =	sne.s32 s2, $0x0  }
0x35a: {  	s3 =	rddreg [dreg:$0x2];
	[bflag:$0x3] =	sbarrier.arrive $0xFFFF;
	s2 =	simm.s32 @!p0 $0x1C05  }
0x35b: {  	[timem:s3], [sflag:s2] =	dma.local @!p0 [hbm:s0], s1  }
0x35c: {  	s0 =	simm.s32 @!p0 $0x5  }
0x35d: {  	_ =	swait.ge @!p0 [sflag:s0], s1  }
0x35e: {  	s1 =	ssub.s32 @!p0 $0x0, s1;
	[sflag:s0] =	ssyncset.done @!p0 $0x0  }
0x35f: {  	[sflag:s0] =	ssyncadd.s32 @!p0 s1  }
0x360: {  	[bflag:$0x3] =	sbarrier.arrive $0xFFFF  }
0x361: {  	_ =	shalt  }

</sc_bundles>
